<compile_context>
chip_gen: v7x
topology: tpu7x:2x2x1
jax: 0.10.2.dev20260603
libtpu: 0.0.44.dev20260713+nightly
codegen_flags: <defaults>
</compile_context>

<pallas_src>
import functools
import math

import jax
import jax.numpy as jnp
from jax import lax
from jax.experimental import pallas as pl
from jax.experimental.pallas import tpu as pltpu
from jax.experimental.pallas import tpu_sc as plsc

_NC = 2
_NS = 16
_CHUNK = 128
_ALPHA = 0.1
_THETA = 0.5


def _cdiv(a, b):
    return (a + b - 1) // b



def _pre_body(n, br, hw, x_ref, w_ref, b_ref, o_ref):
    i = pl.program_id(0)
    h = jnp.dot(x_ref[...], w_ref[...], preferred_element_type=jnp.float32)
    h = jnp.maximum(h + b_ref[...], 0.0)
    rows = i * br + lax.broadcasted_iota(jnp.int32, h.shape, 0)
    h = jnp.where(rows < n, h, 0.0)
    o_ref[0] = h[:, :hw]
    o_ref[1] = h[:, hw:]


def _layer_body(hw, beta_ref, agg_ref, h0_ref, w_ref, o_ref):
    beta = beta_ref[0]
    a = jnp.concatenate([agg_ref[0], agg_ref[1]], axis=1)
    h0 = jnp.concatenate([h0_ref[0], h0_ref[1]], axis=1)
    s = (1.0 - _ALPHA) * a + _ALPHA * h0
    sw = jnp.dot(s, w_ref[...], preferred_element_type=jnp.float32)
    h = jnp.maximum((1.0 - beta) * s + beta * sw, 0.0)
    o_ref[0] = h[:, :hw]
    o_ref[1] = h[:, hw:]


def _out_body(h_ref, wo_ref, bo_ref, o_ref):
    h = jnp.concatenate([h_ref[0], h_ref[1]], axis=1)
    o_ref[...] = jnp.dot(h, wo_ref[...], preferred_element_type=jnp.float32) + bo_ref[...]



def _make_scatter(n_pad, hw, chunks):
    rpt = n_pad // _NS
    mesh = plsc.VectorSubcoreMesh(core_axis_name="c", subcore_axis_name="s",
                                  num_cores=_NC, num_subcores=_NS)

    def body(h_hbm, src_hbm, dst_hbm, z_hbm, out_hbm, src_v, dst_v, rows_v,
             acc_sh, sem):
        c = lax.axis_index("c")
        s = lax.axis_index("s")
        pltpu.sync_copy(z_hbm, acc_sh.at[pl.ds(s * rpt, rpt)])
        pltpu.sync_copy(src_hbm.at[c, s], src_v)
        pltpu.sync_copy(dst_hbm.at[s], dst_v)
        plsc.subcore_barrier()

        def step(j, carry):
            pltpu.async_copy(h_hbm.at[src_v.at[j]], rows_v, sem).wait()
            pltpu.sync_copy(rows_v, acc_sh.at[dst_v.at[j]], add=True)
            return carry

        lax.fori_loop(0, chunks, step, 0)
        plsc.subcore_barrier()
        pltpu.sync_copy(acc_sh.at[pl.ds(s * rpt, rpt)],
                        out_hbm.at[c, pl.ds(s * rpt, rpt)])

    return pl.kernel(
        body,
        out_type=jax.ShapeDtypeStruct((_NC, n_pad, hw), jnp.float32),
        mesh=mesh,
        scratch_types=[
            pltpu.VMEM((chunks, _CHUNK), jnp.int32),
            pltpu.VMEM((chunks, _CHUNK), jnp.int32),
            pltpu.VMEM((_CHUNK, hw), jnp.float32),
            pltpu.VMEM_SHARED((n_pad, hw), jnp.float32),
            pltpu.SemaphoreType.DMA,
        ],
        compiler_params=pltpu.CompilerParams(use_tc_tiling_on_sc=False),
    )



def kernel(x_list, edge_index, W_lin, b_lin, W_gcn, W_out, b_out):
    k_, n, d_in = x_list.shape
    hw = W_lin.shape[2]
    kh = k_ * hw
    l_ = W_gcn.shape[0]
    c_out = W_out.shape[1]
    e = edge_index.shape[1]

    n_pad = _cdiv(n, 2048) * 2048
    e_pad = _cdiv(e, _NS * _CHUNK * 2) * _NS * _CHUNK * 2
    chunks = e_pad // (_NS * _CHUNK)

    x2 = jnp.transpose(x_list, (1, 0, 2)).reshape(n, k_ * d_in)
    x2 = jnp.pad(x2, ((0, n_pad - n), (0, 0)))
    w_blk = jnp.zeros((k_ * d_in, kh), jnp.float32)
    for k in range(k_):
        w_blk = w_blk.at[k * d_in:(k + 1) * d_in, k * hw:(k + 1) * hw].set(W_lin[k])
    b_blk = b_lin.reshape(1, kh)

    pad_e = e_pad - e
    fill = jnp.full((pad_e,), n, jnp.int32)
    src1 = jnp.concatenate([edge_index[0], fill])
    src2 = jnp.stack([src1, src1 + n_pad]).reshape(_NC, _NS, chunks, _CHUNK)
    dst = jnp.concatenate([edge_index[1], fill]).reshape(_NS, chunks, _CHUNK)
    zeros_h = jnp.zeros((n_pad // _NS, hw), jnp.float32)

    br = 1024
    grid = (n_pad // br,)
    tab_spec = pl.BlockSpec((_NC, br, hw), lambda i: (0, i, 0))
    tab_shape = jax.ShapeDtypeStruct((_NC, n_pad, hw), jnp.float32)

    h0_tab = pl.pallas_call(
        functools.partial(_pre_body, n, br, hw),
        grid=grid,
        in_specs=[pl.BlockSpec((br, k_ * d_in), lambda i: (i, 0)),
                  pl.BlockSpec((k_ * d_in, kh), lambda i: (0, 0)),
                  pl.BlockSpec((1, kh), lambda i: (0, 0))],
        out_specs=tab_spec,
        out_shape=tab_shape,
    )(x2, w_blk, b_blk)

    scatter = _make_scatter(n_pad, hw, chunks)

    wo_pad = jnp.zeros((kh, 128), jnp.float32).at[:, :c_out].set(W_out)
    bo_pad = jnp.zeros((1, 128), jnp.float32).at[0, :c_out].set(b_out)

    h_last = h0_tab
    for l in range(l_):
        beta_l = jnp.full((1,), math.log(_THETA / (l + 1) + 1.0), jnp.float32)
        agg = scatter(h_last.reshape(_NC * n_pad, hw), src2, dst, zeros_h)
        h_last = pl.pallas_call(
            functools.partial(_layer_body, hw),
            grid=grid,
            in_specs=[pl.BlockSpec(memory_space=pltpu.SMEM),
                      tab_spec, tab_spec,
                      pl.BlockSpec((kh, kh), lambda i: (0, 0))],
            out_specs=tab_spec,
            out_shape=tab_shape,
        )(beta_l, agg, h0_tab, W_gcn[l])

    out_pad = pl.pallas_call(
        _out_body,
        grid=grid,
        in_specs=[tab_spec,
                  pl.BlockSpec((kh, 128), lambda i: (0, 0)),
                  pl.BlockSpec((1, 128), lambda i: (0, 0))],
        out_specs=pl.BlockSpec((br, 128), lambda i: (i, 0)),
        out_shape=jax.ShapeDtypeStruct((n_pad, 128), jnp.float32),
    )(h_last, wo_pad, bo_pad)

    return out_pad[:n, :c_out]

# --- scband reference (transcript-rebuilt; emitter-appended) ---
"""Pipeline reference for scband-lagcnii-77129022701605 (READ-ONLY COPY).

The authoritative reference and input builder live on the scoring server;
editing this copy changes nothing except your own understanding.
"""

import jax, jax.numpy as jnp
import numpy as np
import math

N = 10000
E = 640000
D_IN = 128
H = 64
K = 2
L = 4
C = 40
ALPHA = 0.1
THETA = 0.5


def setup_inputs(seed: int = 0) -> dict:
    key = jax.random.key(seed)
    ks = jax.random.split(key, 8)
    x_list = jax.random.normal(ks[0], (K, N, D_IN), dtype=jnp.float32)
    edge_index = jax.random.randint(ks[1], (2, E), 0, N, dtype=jnp.int32)
    W_lin = jax.random.normal(ks[2], (K, D_IN, H), dtype=jnp.float32) * 0.05
    b_lin = jnp.zeros((K, H), dtype=jnp.float32)
    W_gcn = jax.random.normal(ks[3], (L, K * H, K * H), dtype=jnp.float32) * 0.05
    W_out = jax.random.normal(ks[4], (K * H, C), dtype=jnp.float32) * 0.05
    b_out = jnp.zeros((C,), dtype=jnp.float32)
    return {"x_list": x_list, "edge_index": edge_index, "W_lin": W_lin,
            "b_lin": b_lin, "W_gcn": W_gcn, "W_out": W_out, "b_out": b_out}


def reference(x_list, edge_index, W_lin, b_lin, W_gcn, W_out, b_out):
    src = edge_index[0]
    dst = edge_index[1]
    hidden = []
    for k in range(K):
        hidden.append(jax.nn.relu(x_list[k] @ W_lin[k] + b_lin[k]))
    h = jnp.concatenate(hidden, axis=-1)
    h0 = h
    for l in range(L):
        beta = math.log(THETA / (l + 1) + 1.0)
        # GCN2Conv propagate (normalize=False, edge_weight=None): scatter-add of src features to dst
        agg = jnp.zeros_like(h).at[dst].add(h[src])
        s = (1.0 - ALPHA) * agg + ALPHA * h0
        # shared_weights=True: out = (1-beta)*s + beta*(s @ W)
        h = (1.0 - beta) * s + beta * (s @ W_gcn[l])
        h = jax.nn.relu(h)
    return h @ W_out + b_out

if __name__ == "__main__":
    import jax
    _d = setup_inputs()
    print(jax.jit(kernel)(*tuple(_d.values())))

</pallas_src>

<mosaic_0001>
#map = affine_map<(d0, d1) -> (0, 0)>
#map1 = affine_map<(d0, d1) -> (0, 0, 0, 0)>
#map2 = affine_map<(d0, d1) -> (0, 0, 0)>
module attributes {stable_mosaic.version = 14 : i64} {
  func.func @body(%arg0: i32, %arg1: i32, %arg2: memref<20480x64xf32, #tpu.memory_space<hbm>>, %arg3: memref<2x16x314x128xi32, #tpu.memory_space<hbm>>, %arg4: memref<16x314x128xi32, #tpu.memory_space<hbm>>, %arg5: memref<640x64xf32, #tpu.memory_space<hbm>>, %arg6: memref<2x10240x64xf32, #tpu.memory_space<hbm>>, %arg7: memref<314x128xi32, #tpu.memory_space<vmem>>, %arg8: memref<314x128xi32, #tpu.memory_space<vmem>>, %arg9: memref<128x64xf32, #tpu.memory_space<vmem>>, %arg10: memref<10240x64xf32, #tpu.memory_space<vmem_shared>>, %arg11: memref<!tpu.dma_semaphore, #tpu.memory_space<semaphore_mem>>) attributes {dimension_semantics = [#tpu.dimension_semantics<core_parallel>, #tpu.dimension_semantics<subcore_parallel>], iteration_bounds = array<i64: 2, 16>, scalar_prefetch = 0 : i64, scratch_operands = 5 : i64, tpu.core_type = #tpu.core_type<sc_vector_subcore>, window_params = [{transform_indices = #map}, {transform_indices = #map1}, {transform_indices = #map2}, {transform_indices = #map}, {transform_indices = #map2}]} {
    %mul3A = arith.constant 640 : i32
    %mul3A_0 = arith.muli %arg1, %mul3A : i32
    "tpu.region"() ({
      %run_scoped3A = tpu.sem_alloc : memref<!tpu.dma_semaphore, #tpu.memory_space<semaphore_mem>>
      %dma_start3A = arith.constant 0 : i32
      %dma_start3A_11 = tpu.memref_slice %arg10[%mul3A_0, %dma_start3A] : memref<10240x64xf32, #tpu.memory_space<vmem_shared>> -> memref<640x64xf32, #tpu.memory_space<vmem_shared>>
      tpu.enqueue_dma source(%arg5 : memref<640x64xf32, #tpu.memory_space<hbm>>) target(%dma_start3A_11 : memref<640x64xf32, #tpu.memory_space<vmem_shared>>) target_semaphore(%run_scoped3A : memref<!tpu.dma_semaphore, #tpu.memory_space<semaphore_mem>>)
      %dma_wait3A = arith.constant 0 : i32
      %dma_wait3A_12 = tpu.memref_slice %arg10[%mul3A_0, %dma_wait3A] : memref<10240x64xf32, #tpu.memory_space<vmem_shared>> -> memref<640x64xf32, #tpu.memory_space<vmem_shared>>
      tpu.wait_dma2 semaphore(%run_scoped3A : memref<!tpu.dma_semaphore, #tpu.memory_space<semaphore_mem>>) src(%arg5 : memref<640x64xf32, #tpu.memory_space<hbm>>) dst(%dma_wait3A_12 : memref<640x64xf32, #tpu.memory_space<vmem_shared>>)
      tpu.yield
    }) : () -> ()
    "tpu.region"() ({
      %run_scoped3A = tpu.sem_alloc : memref<!tpu.dma_semaphore, #tpu.memory_space<semaphore_mem>>
      %dma_start3A = arith.constant 0 : i32
      %dma_start3A_11 = arith.constant 0 : i32
      %dma_start3A_12 = tpu.memref_slice %arg3[%arg0, %arg1, %dma_start3A, %dma_start3A_11] : memref<2x16x314x128xi32, #tpu.memory_space<hbm>> -> memref<1x1x314x128xi32, #tpu.memory_space<hbm>>
      %dma_start3A_13 = tpu.memref_squeeze %dma_start3A_12 : memref<1x1x314x128xi32, #tpu.memory_space<hbm>> -> memref<314x128xi32, #tpu.memory_space<hbm>>
      %dma_start3A_14 = arith.constant 0 : i32
      %dma_start3A_15 = arith.constant 0 : i32
      %dma_start3A_16 = tpu.memref_slice %arg3[%arg0, %arg1, %dma_start3A_14, %dma_start3A_15] : memref<2x16x314x128xi32, #tpu.memory_space<hbm>> -> memref<1x1x314x128xi32, #tpu.memory_space<hbm>>
      %dma_start3A_17 = tpu.memref_squeeze %dma_start3A_16 : memref<1x1x314x128xi32, #tpu.memory_space<hbm>> -> memref<314x128xi32, #tpu.memory_space<hbm>>
      tpu.enqueue_dma source(%dma_start3A_17 : memref<314x128xi32, #tpu.memory_space<hbm>>) target(%arg7 : memref<314x128xi32, #tpu.memory_space<vmem>>) target_semaphore(%run_scoped3A : memref<!tpu.dma_semaphore, #tpu.memory_space<semaphore_mem>>)
      %dma_wait3A = arith.constant 0 : i32
      %dma_wait3A_18 = arith.constant 0 : i32
      %dma_wait3A_19 = tpu.memref_slice %arg3[%arg0, %arg1, %dma_wait3A, %dma_wait3A_18] : memref<2x16x314x128xi32, #tpu.memory_space<hbm>> -> memref<1x1x314x128xi32, #tpu.memory_space<hbm>>
      %dma_wait3A_20 = tpu.memref_squeeze %dma_wait3A_19 : memref<1x1x314x128xi32, #tpu.memory_space<hbm>> -> memref<314x128xi32, #tpu.memory_space<hbm>>
      %dma_wait3A_21 = arith.constant 0 : i32
      %dma_wait3A_22 = arith.constant 0 : i32
      %dma_wait3A_23 = tpu.memref_slice %arg3[%arg0, %arg1, %dma_wait3A_21, %dma_wait3A_22] : memref<2x16x314x128xi32, #tpu.memory_space<hbm>> -> memref<1x1x314x128xi32, #tpu.memory_space<hbm>>
      %dma_wait3A_24 = tpu.memref_squeeze %dma_wait3A_23 : memref<1x1x314x128xi32, #tpu.memory_space<hbm>> -> memref<314x128xi32, #tpu.memory_space<hbm>>
      tpu.wait_dma2 semaphore(%run_scoped3A : memref<!tpu.dma_semaphore, #tpu.memory_space<semaphore_mem>>) src(%dma_wait3A_24 : memref<314x128xi32, #tpu.memory_space<hbm>>) dst(%arg7 : memref<314x128xi32, #tpu.memory_space<vmem>>)
      tpu.yield
    }) : () -> ()
    "tpu.region"() ({
      %run_scoped3A = tpu.sem_alloc : memref<!tpu.dma_semaphore, #tpu.memory_space<semaphore_mem>>
      %dma_start3A = arith.constant 0 : i32
      %dma_start3A_11 = arith.constant 0 : i32
      %dma_start3A_12 = tpu.memref_slice %arg4[%arg1, %dma_start3A, %dma_start3A_11] : memref<16x314x128xi32, #tpu.memory_space<hbm>> -> memref<1x314x128xi32, #tpu.memory_space<hbm>>
      %dma_start3A_13 = tpu.memref_squeeze %dma_start3A_12 : memref<1x314x128xi32, #tpu.memory_space<hbm>> -> memref<314x128xi32, #tpu.memory_space<hbm>>
      %dma_start3A_14 = arith.constant 0 : i32
      %dma_start3A_15 = arith.constant 0 : i32
      %dma_start3A_16 = tpu.memref_slice %arg4[%arg1, %dma_start3A_14, %dma_start3A_15] : memref<16x314x128xi32, #tpu.memory_space<hbm>> -> memref<1x314x128xi32, #tpu.memory_space<hbm>>
      %dma_start3A_17 = tpu.memref_squeeze %dma_start3A_16 : memref<1x314x128xi32, #tpu.memory_space<hbm>> -> memref<314x128xi32, #tpu.memory_space<hbm>>
      tpu.enqueue_dma source(%dma_start3A_17 : memref<314x128xi32, #tpu.memory_space<hbm>>) target(%arg8 : memref<314x128xi32, #tpu.memory_space<vmem>>) target_semaphore(%run_scoped3A : memref<!tpu.dma_semaphore, #tpu.memory_space<semaphore_mem>>)
      %dma_wait3A = arith.constant 0 : i32
      %dma_wait3A_18 = arith.constant 0 : i32
      %dma_wait3A_19 = tpu.memref_slice %arg4[%arg1, %dma_wait3A, %dma_wait3A_18] : memref<16x314x128xi32, #tpu.memory_space<hbm>> -> memref<1x314x128xi32, #tpu.memory_space<hbm>>
      %dma_wait3A_20 = tpu.memref_squeeze %dma_wait3A_19 : memref<1x314x128xi32, #tpu.memory_space<hbm>> -> memref<314x128xi32, #tpu.memory_space<hbm>>
      %dma_wait3A_21 = arith.constant 0 : i32
      %dma_wait3A_22 = arith.constant 0 : i32
      %dma_wait3A_23 = tpu.memref_slice %arg4[%arg1, %dma_wait3A_21, %dma_wait3A_22] : memref<16x314x128xi32, #tpu.memory_space<hbm>> -> memref<1x314x128xi32, #tpu.memory_space<hbm>>
      %dma_wait3A_24 = tpu.memref_squeeze %dma_wait3A_23 : memref<1x314x128xi32, #tpu.memory_space<hbm>> -> memref<314x128xi32, #tpu.memory_space<hbm>>
      tpu.wait_dma2 semaphore(%run_scoped3A : memref<!tpu.dma_semaphore, #tpu.memory_space<semaphore_mem>>) src(%dma_wait3A_24 : memref<314x128xi32, #tpu.memory_space<hbm>>) dst(%arg8 : memref<314x128xi32, #tpu.memory_space<vmem>>)
      tpu.yield
    }) : () -> ()
    %barrier3A = arith.constant 0 : index
    tpu.barrier barrier_id(%barrier3A)
    %scan3A = arith.constant 0 : i32
    %scan3A_1 = arith.constant 0 : i32
    %scan3A_2 = arith.constant 314 : i32
    %scan3A_3 = arith.addi %scan3A_1, %scan3A_2 : i32
    %scan3A_4 = arith.constant 1 : i32
    scf.for %scan3A_11 = %scan3A_1 to %scan3A_3 step %scan3A_4  : i32 {
      %dma_start3A = arith.constant 0 : i32
      %dma_start3A_12 = tpu.memref_slice %arg7[%scan3A_11, %dma_start3A] : memref<314x128xi32, #tpu.memory_space<vmem>> -> memref<1x128xi32, #tpu.memory_space<vmem>>
      %dma_start3A_13 = tpu.memref_squeeze %dma_start3A_12 : memref<1x128xi32, #tpu.memory_space<vmem>> -> memref<128xi32, #tpu.memory_space<vmem>>
      %dma_start3A_14 = arith.constant 0 : i32
      %dma_start3A_15 = arith.constant 0 : i32
      %dma_start3A_16 = tpu.memref_slice %arg2[%dma_start3A_14, %dma_start3A_15] : memref<20480x64xf32, #tpu.memory_space<hbm>> -> memref<20480x64xf32, #tpu.memory_space<hbm>>
      tpu.enqueue_indirect_dma source(%dma_start3A_16 : memref<20480x64xf32, #tpu.memory_space<hbm>>) target(%arg9 : memref<128x64xf32, #tpu.memory_space<vmem>>) offsets(%dma_start3A_13 : memref<128xi32, #tpu.memory_space<vmem>>) semaphore(%arg11 : memref<!tpu.dma_semaphore, #tpu.memory_space<semaphore_mem>>)
      %dma_wait3A = arith.constant 0 : i32
      %dma_wait3A_17 = tpu.memref_slice %arg7[%scan3A_11, %dma_wait3A] : memref<314x128xi32, #tpu.memory_space<vmem>> -> memref<1x128xi32, #tpu.memory_space<vmem>>
      %dma_wait3A_18 = tpu.memref_squeeze %dma_wait3A_17 : memref<1x128xi32, #tpu.memory_space<vmem>> -> memref<128xi32, #tpu.memory_space<vmem>>
      %dma_wait3A_19 = arith.constant 0 : i32
      %dma_wait3A_20 = arith.constant 0 : i32
      %dma_wait3A_21 = tpu.memref_slice %arg2[%dma_wait3A_19, %dma_wait3A_20] : memref<20480x64xf32, #tpu.memory_space<hbm>> -> memref<20480x64xf32, #tpu.memory_space<hbm>>
      tpu.wait_indirect_dma semaphore(%arg11 : memref<!tpu.dma_semaphore, #tpu.memory_space<semaphore_mem>>) src(%dma_wait3A_21 : memref<20480x64xf32, #tpu.memory_space<hbm>>) dst(%arg9 : memref<128x64xf32, #tpu.memory_space<vmem>>)
      "tpu.region"() ({
        %run_scoped3A = tpu.sem_alloc : memref<!tpu.dma_semaphore, #tpu.memory_space<semaphore_mem>>
        %dma_start3A_22 = arith.constant 0 : i32
        %dma_start3A_23 = tpu.memref_slice %arg8[%scan3A_11, %dma_start3A_22] : memref<314x128xi32, #tpu.memory_space<vmem>> -> memref<1x128xi32, #tpu.memory_space<vmem>>
        %dma_start3A_24 = tpu.memref_squeeze %dma_start3A_23 : memref<1x128xi32, #tpu.memory_space<vmem>> -> memref<128xi32, #tpu.memory_space<vmem>>
        %dma_start3A_25 = arith.constant 0 : i32
        %dma_start3A_26 = arith.constant 0 : i32
        %dma_start3A_27 = tpu.memref_slice %arg10[%dma_start3A_25, %dma_start3A_26] : memref<10240x64xf32, #tpu.memory_space<vmem_shared>> -> memref<10240x64xf32, #tpu.memory_space<vmem_shared>>
        tpu.enqueue_indirect_dma source(%arg9 : memref<128x64xf32, #tpu.memory_space<vmem>>) target(%dma_start3A_27 : memref<10240x64xf32, #tpu.memory_space<vmem_shared>>) offsets(%dma_start3A_24 : memref<128xi32, #tpu.memory_space<vmem>>) semaphore(%run_scoped3A : memref<!tpu.dma_semaphore, #tpu.memory_space<semaphore_mem>>) {add = true}
        %dma_wait3A_28 = arith.constant 0 : i32
        %dma_wait3A_29 = tpu.memref_slice %arg8[%scan3A_11, %dma_wait3A_28] : memref<314x128xi32, #tpu.memory_space<vmem>> -> memref<1x128xi32, #tpu.memory_space<vmem>>
        %dma_wait3A_30 = tpu.memref_squeeze %dma_wait3A_29 : memref<1x128xi32, #tpu.memory_space<vmem>> -> memref<128xi32, #tpu.memory_space<vmem>>
        %dma_wait3A_31 = arith.constant 0 : i32
        %dma_wait3A_32 = arith.constant 0 : i32
        %dma_wait3A_33 = tpu.memref_slice %arg10[%dma_wait3A_31, %dma_wait3A_32] : memref<10240x64xf32, #tpu.memory_space<vmem_shared>> -> memref<10240x64xf32, #tpu.memory_space<vmem_shared>>
        tpu.wait_indirect_dma semaphore(%run_scoped3A : memref<!tpu.dma_semaphore, #tpu.memory_space<semaphore_mem>>) src(%arg9 : memref<128x64xf32, #tpu.memory_space<vmem>>) dst(%dma_wait3A_33 : memref<10240x64xf32, #tpu.memory_space<vmem_shared>>)
        tpu.yield
      }) : () -> ()
    }
    %scan3A_5 = arith.constant 314 : i32
    %barrier3A_6 = arith.constant 0 : index
    tpu.barrier barrier_id(%barrier3A_6)
    %mul3A_7 = arith.constant 640 : i32
    %mul3A_8 = arith.muli %arg1, %mul3A_7 : i32
    %mul3A_9 = arith.constant 640 : i32
    %mul3A_10 = arith.muli %arg1, %mul3A_9 : i32
    "tpu.region"() ({
      %run_scoped3A = tpu.sem_alloc : memref<!tpu.dma_semaphore, #tpu.memory_space<semaphore_mem>>
      %dma_start3A = arith.constant 0 : i32
      %dma_start3A_11 = tpu.memref_slice %arg6[%arg0, %mul3A_10, %dma_start3A] : memref<2x10240x64xf32, #tpu.memory_space<hbm>> -> memref<1x640x64xf32, #tpu.memory_space<hbm>>
      %dma_start3A_12 = tpu.memref_squeeze %dma_start3A_11 : memref<1x640x64xf32, #tpu.memory_space<hbm>> -> memref<640x64xf32, #tpu.memory_space<hbm>>
      %dma_start3A_13 = arith.constant 0 : i32
      %dma_start3A_14 = tpu.memref_slice %arg10[%mul3A_8, %dma_start3A_13] : memref<10240x64xf32, #tpu.memory_space<vmem_shared>> -> memref<640x64xf32, #tpu.memory_space<vmem_shared>>
      tpu.enqueue_dma source(%dma_start3A_14 : memref<640x64xf32, #tpu.memory_space<vmem_shared>>) target(%dma_start3A_12 : memref<640x64xf32, #tpu.memory_space<hbm>>) target_semaphore(%run_scoped3A : memref<!tpu.dma_semaphore, #tpu.memory_space<semaphore_mem>>)
      %dma_wait3A = arith.constant 0 : i32
      %dma_wait3A_15 = tpu.memref_slice %arg6[%arg0, %mul3A_10, %dma_wait3A] : memref<2x10240x64xf32, #tpu.memory_space<hbm>> -> memref<1x640x64xf32, #tpu.memory_space<hbm>>
      %dma_wait3A_16 = tpu.memref_squeeze %dma_wait3A_15 : memref<1x640x64xf32, #tpu.memory_space<hbm>> -> memref<640x64xf32, #tpu.memory_space<hbm>>
      %dma_wait3A_17 = arith.constant 0 : i32
      %dma_wait3A_18 = tpu.memref_slice %arg10[%mul3A_8, %dma_wait3A_17] : memref<10240x64xf32, #tpu.memory_space<vmem_shared>> -> memref<640x64xf32, #tpu.memory_space<vmem_shared>>
      tpu.wait_dma2 semaphore(%run_scoped3A : memref<!tpu.dma_semaphore, #tpu.memory_space<semaphore_mem>>) src(%dma_wait3A_18 : memref<640x64xf32, #tpu.memory_space<vmem_shared>>) dst(%dma_wait3A_16 : memref<640x64xf32, #tpu.memory_space<hbm>>)
      tpu.yield
    }) : () -> ()
    return
  }
}

#map = affine_map<(d0, d1) -> (0, 0)>
#map1 = affine_map<(d0, d1) -> (0, 0, 0, 0)>
#map2 = affine_map<(d0, d1) -> (0, 0, 0)>
module attributes {stable_mosaic.version = 14 : i64} {
  func.func @body(%arg0: i32, %arg1: i32, %arg2: memref<20480x64xf32, #tpu.memory_space<hbm>>, %arg3: memref<2x16x314x128xi32, #tpu.memory_space<hbm>>, %arg4: memref<16x314x128xi32, #tpu.memory_space<hbm>>, %arg5: memref<640x64xf32, #tpu.memory_space<hbm>>, %arg6: memref<2x10240x64xf32, #tpu.memory_space<hbm>>, %arg7: memref<314x128xi32, #tpu.memory_space<vmem>>, %arg8: memref<314x128xi32, #tpu.memory_space<vmem>>, %arg9: memref<128x64xf32, #tpu.memory_space<vmem>>, %arg10: memref<10240x64xf32, #tpu.memory_space<vmem_shared>>, %arg11: memref<!tpu.dma_semaphore, #tpu.memory_space<semaphore_mem>>) attributes {dimension_semantics = [#tpu.dimension_semantics<core_parallel>, #tpu.dimension_semantics<subcore_parallel>], iteration_bounds = array<i64: 2, 16>, scalar_prefetch = 0 : i64, scratch_operands = 5 : i64, tpu.core_type = #tpu.core_type<sc_vector_subcore>, window_params = [{transform_indices = #map}, {transform_indices = #map1}, {transform_indices = #map2}, {transform_indices = #map}, {transform_indices = #map2}]} {
    %mul3A = arith.constant 640 : i32
    %mul3A_0 = arith.muli %arg1, %mul3A : i32
    "tpu.region"() ({
      %run_scoped3A = tpu.sem_alloc : memref<!tpu.dma_semaphore, #tpu.memory_space<semaphore_mem>>
      %dma_start3A = arith.constant 0 : i32
      %dma_start3A_11 = tpu.memref_slice %arg10[%mul3A_0, %dma_start3A] : memref<10240x64xf32, #tpu.memory_space<vmem_shared>> -> memref<640x64xf32, #tpu.memory_space<vmem_shared>>
      tpu.enqueue_dma source(%arg5 : memref<640x64xf32, #tpu.memory_space<hbm>>) target(%dma_start3A_11 : memref<640x64xf32, #tpu.memory_space<vmem_shared>>) target_semaphore(%run_scoped3A : memref<!tpu.dma_semaphore, #tpu.memory_space<semaphore_mem>>)
      %dma_wait3A = arith.constant 0 : i32
      %dma_wait3A_12 = tpu.memref_slice %arg10[%mul3A_0, %dma_wait3A] : memref<10240x64xf32, #tpu.memory_space<vmem_shared>> -> memref<640x64xf32, #tpu.memory_space<vmem_shared>>
      tpu.wait_dma2 semaphore(%run_scoped3A : memref<!tpu.dma_semaphore, #tpu.memory_space<semaphore_mem>>) src(%arg5 : memref<640x64xf32, #tpu.memory_space<hbm>>) dst(%dma_wait3A_12 : memref<640x64xf32, #tpu.memory_space<vmem_shared>>)
      tpu.yield
    }) : () -> ()
    "tpu.region"() ({
      %run_scoped3A = tpu.sem_alloc : memref<!tpu.dma_semaphore, #tpu.memory_space<semaphore_mem>>
      %dma_start3A = arith.constant 0 : i32
      %dma_start3A_11 = arith.constant 0 : i32
      %dma_start3A_12 = tpu.memref_slice %arg3[%arg0, %arg1, %dma_start3A, %dma_start3A_11] : memref<2x16x314x128xi32, #tpu.memory_space<hbm>> -> memref<1x1x314x128xi32, #tpu.memory_space<hbm>>
      %dma_start3A_13 = tpu.memref_squeeze %dma_start3A_12 : memref<1x1x314x128xi32, #tpu.memory_space<hbm>> -> memref<314x128xi32, #tpu.memory_space<hbm>>
      %dma_start3A_14 = arith.constant 0 : i32
      %dma_start3A_15 = arith.constant 0 : i32
      %dma_start3A_16 = tpu.memref_slice %arg3[%arg0, %arg1, %dma_start3A_14, %dma_start3A_15] : memref<2x16x314x128xi32, #tpu.memory_space<hbm>> -> memref<1x1x314x128xi32, #tpu.memory_space<hbm>>
      %dma_start3A_17 = tpu.memref_squeeze %dma_start3A_16 : memref<1x1x314x128xi32, #tpu.memory_space<hbm>> -> memref<314x128xi32, #tpu.memory_space<hbm>>
      tpu.enqueue_dma source(%dma_start3A_17 : memref<314x128xi32, #tpu.memory_space<hbm>>) target(%arg7 : memref<314x128xi32, #tpu.memory_space<vmem>>) target_semaphore(%run_scoped3A : memref<!tpu.dma_semaphore, #tpu.memory_space<semaphore_mem>>)
      %dma_wait3A = arith.constant 0 : i32
      %dma_wait3A_18 = arith.constant 0 : i32
      %dma_wait3A_19 = tpu.memref_slice %arg3[%arg0, %arg1, %dma_wait3A, %dma_wait3A_18] : memref<2x16x314x128xi32, #tpu.memory_space<hbm>> -> memref<1x1x314x128xi32, #tpu.memory_space<hbm>>
      %dma_wait3A_20 = tpu.memref_squeeze %dma_wait3A_19 : memref<1x1x314x128xi32, #tpu.memory_space<hbm>> -> memref<314x128xi32, #tpu.memory_space<hbm>>
      %dma_wait3A_21 = arith.constant 0 : i32
      %dma_wait3A_22 = arith.constant 0 : i32
      %dma_wait3A_23 = tpu.memref_slice %arg3[%arg0, %arg1, %dma_wait3A_21, %dma_wait3A_22] : memref<2x16x314x128xi32, #tpu.memory_space<hbm>> -> memref<1x1x314x128xi32, #tpu.memory_space<hbm>>
      %dma_wait3A_24 = tpu.memref_squeeze %dma_wait3A_23 : memref<1x1x314x128xi32, #tpu.memory_space<hbm>> -> memref<314x128xi32, #tpu.memory_space<hbm>>
      tpu.wait_dma2 semaphore(%run_scoped3A : memref<!tpu.dma_semaphore, #tpu.memory_space<semaphore_mem>>) src(%dma_wait3A_24 : memref<314x128xi32, #tpu.memory_space<hbm>>) dst(%arg7 : memref<314x128xi32, #tpu.memory_space<vmem>>)
      tpu.yield
    }) : () -> ()
    "tpu.region"() ({
      %run_scoped3A = tpu.sem_alloc : memref<!tpu.dma_semaphore, #tpu.memory_space<semaphore_mem>>
      %dma_start3A = arith.constant 0 : i32
      %dma_start3A_11 = arith.constant 0 : i32
      %dma_start3A_12 = tpu.memref_slice %arg4[%arg1, %dma_start3A, %dma_start3A_11] : memref<16x314x128xi32, #tpu.memory_space<hbm>> -> memref<1x314x128xi32, #tpu.memory_space<hbm>>
      %dma_start3A_13 = tpu.memref_squeeze %dma_start3A_12 : memref<1x314x128xi32, #tpu.memory_space<hbm>> -> memref<314x128xi32, #tpu.memory_space<hbm>>
      %dma_start3A_14 = arith.constant 0 : i32
      %dma_start3A_15 = arith.constant 0 : i32
      %dma_start3A_16 = tpu.memref_slice %arg4[%arg1, %dma_start3A_14, %dma_start3A_15] : memref<16x314x128xi32, #tpu.memory_space<hbm>> -> memref<1x314x128xi32, #tpu.memory_space<hbm>>
      %dma_start3A_17 = tpu.memref_squeeze %dma_start3A_16 : memref<1x314x128xi32, #tpu.memory_space<hbm>> -> memref<314x128xi32, #tpu.memory_space<hbm>>
      tpu.enqueue_dma source(%dma_start3A_17 : memref<314x128xi32, #tpu.memory_space<hbm>>) target(%arg8 : memref<314x128xi32, #tpu.memory_space<vmem>>) target_semaphore(%run_scoped3A : memref<!tpu.dma_semaphore, #tpu.memory_space<semaphore_mem>>)
      %dma_wait3A = arith.constant 0 : i32
      %dma_wait3A_18 = arith.constant 0 : i32
      %dma_wait3A_19 = tpu.memref_slice %arg4[%arg1, %dma_wait3A, %dma_wait3A_18] : memref<16x314x128xi32, #tpu.memory_space<hbm>> -> memref<1x314x128xi32, #tpu.memory_space<hbm>>
      %dma_wait3A_20 = tpu.memref_squeeze %dma_wait3A_19 : memref<1x314x128xi32, #tpu.memory_space<hbm>> -> memref<314x128xi32, #tpu.memory_space<hbm>>
      %dma_wait3A_21 = arith.constant 0 : i32
      %dma_wait3A_22 = arith.constant 0 : i32
      %dma_wait3A_23 = tpu.memref_slice %arg4[%arg1, %dma_wait3A_21, %dma_wait3A_22] : memref<16x314x128xi32, #tpu.memory_space<hbm>> -> memref<1x314x128xi32, #tpu.memory_space<hbm>>
      %dma_wait3A_24 = tpu.memref_squeeze %dma_wait3A_23 : memref<1x314x128xi32, #tpu.memory_space<hbm>> -> memref<314x128xi32, #tpu.memory_space<hbm>>
      tpu.wait_dma2 semaphore(%run_scoped3A : memref<!tpu.dma_semaphore, #tpu.memory_space<semaphore_mem>>) src(%dma_wait3A_24 : memref<314x128xi32, #tpu.memory_space<hbm>>) dst(%arg8 : memref<314x128xi32, #tpu.memory_space<vmem>>)
      tpu.yield
    }) : () -> ()
    %barrier3A = arith.constant 0 : index
    tpu.barrier barrier_id(%barrier3A)
    %scan3A = arith.constant 0 : i32
    %scan3A_1 = arith.constant 0 : i32
    %scan3A_2 = arith.constant 314 : i32
    %scan3A_3 = arith.addi %scan3A_1, %scan3A_2 : i32
    %scan3A_4 = arith.constant 1 : i32
    scf.for %scan3A_11 = %scan3A_1 to %scan3A_3 step %scan3A_4  : i32 {
      %dma_start3A = arith.constant 0 : i32
      %dma_start3A_12 = tpu.memref_slice %arg7[%scan3A_11, %dma_start3A] : memref<314x128xi32, #tpu.memory_space<vmem>> -> memref<1x128xi32, #tpu.memory_space<vmem>>
      %dma_start3A_13 = tpu.memref_squeeze %dma_start3A_12 : memref<1x128xi32, #tpu.memory_space<vmem>> -> memref<128xi32, #tpu.memory_space<vmem>>
      %dma_start3A_14 = arith.constant 0 : i32
      %dma_start3A_15 = arith.constant 0 : i32
      %dma_start3A_16 = tpu.memref_slice %arg2[%dma_start3A_14, %dma_start3A_15] : memref<20480x64xf32, #tpu.memory_space<hbm>> -> memref<20480x64xf32, #tpu.memory_space<hbm>>
      tpu.enqueue_indirect_dma source(%dma_start3A_16 : memref<20480x64xf32, #tpu.memory_space<hbm>>) target(%arg9 : memref<128x64xf32, #tpu.memory_space<vmem>>) offsets(%dma_start3A_13 : memref<128xi32, #tpu.memory_space<vmem>>) semaphore(%arg11 : memref<!tpu.dma_semaphore, #tpu.memory_space<semaphore_mem>>)
      %dma_wait3A = arith.constant 0 : i32
      %dma_wait3A_17 = tpu.memref_slice %arg7[%scan3A_11, %dma_wait3A] : memref<314x128xi32, #tpu.memory_space<vmem>> -> memref<1x128xi32, #tpu.memory_space<vmem>>
      %dma_wait3A_18 = tpu.memref_squeeze %dma_wait3A_17 : memref<1x128xi32, #tpu.memory_space<vmem>> -> memref<128xi32, #tpu.memory_space<vmem>>
      %dma_wait3A_19 = arith.constant 0 : i32
      %dma_wait3A_20 = arith.constant 0 : i32
      %dma_wait3A_21 = tpu.memref_slice %arg2[%dma_wait3A_19, %dma_wait3A_20] : memref<20480x64xf32, #tpu.memory_space<hbm>> -> memref<20480x64xf32, #tpu.memory_space<hbm>>
      tpu.wait_indirect_dma semaphore(%arg11 : memref<!tpu.dma_semaphore, #tpu.memory_space<semaphore_mem>>) src(%dma_wait3A_21 : memref<20480x64xf32, #tpu.memory_space<hbm>>) dst(%arg9 : memref<128x64xf32, #tpu.memory_space<vmem>>)
      "tpu.region"() ({
        %run_scoped3A = tpu.sem_alloc : memref<!tpu.dma_semaphore, #tpu.memory_space<semaphore_mem>>
        %dma_start3A_22 = arith.constant 0 : i32
        %dma_start3A_23 = tpu.memref_slice %arg8[%scan3A_11, %dma_start3A_22] : memref<314x128xi32, #tpu.memory_space<vmem>> -> memref<1x128xi32, #tpu.memory_space<vmem>>
        %dma_start3A_24 = tpu.memref_squeeze %dma_start3A_23 : memref<1x128xi32, #tpu.memory_space<vmem>> -> memref<128xi32, #tpu.memory_space<vmem>>
        %dma_start3A_25 = arith.constant 0 : i32
        %dma_start3A_26 = arith.constant 0 : i32
        %dma_start3A_27 = tpu.memref_slice %arg10[%dma_start3A_25, %dma_start3A_26] : memref<10240x64xf32, #tpu.memory_space<vmem_shared>> -> memref<10240x64xf32, #tpu.memory_space<vmem_shared>>
        tpu.enqueue_indirect_dma source(%arg9 : memref<128x64xf32, #tpu.memory_space<vmem>>) target(%dma_start3A_27 : memref<10240x64xf32, #tpu.memory_space<vmem_shared>>) offsets(%dma_start3A_24 : memref<128xi32, #tpu.memory_space<vmem>>) semaphore(%run_scoped3A : memref<!tpu.dma_semaphore, #tpu.memory_space<semaphore_mem>>) {add = true}
        %dma_wait3A_28 = arith.constant 0 : i32
        %dma_wait3A_29 = tpu.memref_slice %arg8[%scan3A_11, %dma_wait3A_28] : memref<314x128xi32, #tpu.memory_space<vmem>> -> memref<1x128xi32, #tpu.memory_space<vmem>>
        %dma_wait3A_30 = tpu.memref_squeeze %dma_wait3A_29 : memref<1x128xi32, #tpu.memory_space<vmem>> -> memref<128xi32, #tpu.memory_space<vmem>>
        %dma_wait3A_31 = arith.constant 0 : i32
        %dma_wait3A_32 = arith.constant 0 : i32
        %dma_wait3A_33 = tpu.memref_slice %arg10[%dma_wait3A_31, %dma_wait3A_32] : memref<10240x64xf32, #tpu.memory_space<vmem_shared>> -> memref<10240x64xf32, #tpu.memory_space<vmem_shared>>
        tpu.wait_indirect_dma semaphore(%run_scoped3A : memref<!tpu.dma_semaphore, #tpu.memory_space<semaphore_mem>>) src(%arg9 : memref<128x64xf32, #tpu.memory_space<vmem>>) dst(%dma_wait3A_33 : memref<10240x64xf32, #tpu.memory_space<vmem_shared>>)
        tpu.yield
      }) : () -> ()
    }
    %scan3A_5 = arith.constant 314 : i32
    %barrier3A_6 = arith.constant 0 : index
    tpu.barrier barrier_id(%barrier3A_6)
    %mul3A_7 = arith.constant 640 : i32
    %mul3A_8 = arith.muli %arg1, %mul3A_7 : i32
    %mul3A_9 = arith.constant 640 : i32
    %mul3A_10 = arith.muli %arg1, %mul3A_9 : i32
    "tpu.region"() ({
      %run_scoped3A = tpu.sem_alloc : memref<!tpu.dma_semaphore, #tpu.memory_space<semaphore_mem>>
      %dma_start3A = arith.constant 0 : i32
      %dma_start3A_11 = tpu.memref_slice %arg6[%arg0, %mul3A_10, %dma_start3A] : memref<2x10240x64xf32, #tpu.memory_space<hbm>> -> memref<1x640x64xf32, #tpu.memory_space<hbm>>
      %dma_start3A_12 = tpu.memref_squeeze %dma_start3A_11 : memref<1x640x64xf32, #tpu.memory_space<hbm>> -> memref<640x64xf32, #tpu.memory_space<hbm>>
      %dma_start3A_13 = arith.constant 0 : i32
      %dma_start3A_14 = tpu.memref_slice %arg10[%mul3A_8, %dma_start3A_13] : memref<10240x64xf32, #tpu.memory_space<vmem_shared>> -> memref<640x64xf32, #tpu.memory_space<vmem_shared>>
      tpu.enqueue_dma source(%dma_start3A_14 : memref<640x64xf32, #tpu.memory_space<vmem_shared>>) target(%dma_start3A_12 : memref<640x64xf32, #tpu.memory_space<hbm>>) target_semaphore(%run_scoped3A : memref<!tpu.dma_semaphore, #tpu.memory_space<semaphore_mem>>)
      %dma_wait3A = arith.constant 0 : i32
      %dma_wait3A_15 = tpu.memref_slice %arg6[%arg0, %mul3A_10, %dma_wait3A] : memref<2x10240x64xf32, #tpu.memory_space<hbm>> -> memref<1x640x64xf32, #tpu.memory_space<hbm>>
      %dma_wait3A_16 = tpu.memref_squeeze %dma_wait3A_15 : memref<1x640x64xf32, #tpu.memory_space<hbm>> -> memref<640x64xf32, #tpu.memory_space<hbm>>
      %dma_wait3A_17 = arith.constant 0 : i32
      %dma_wait3A_18 = tpu.memref_slice %arg10[%mul3A_8, %dma_wait3A_17] : memref<10240x64xf32, #tpu.memory_space<vmem_shared>> -> memref<640x64xf32, #tpu.memory_space<vmem_shared>>
      tpu.wait_dma2 semaphore(%run_scoped3A : memref<!tpu.dma_semaphore, #tpu.memory_space<semaphore_mem>>) src(%dma_wait3A_18 : memref<640x64xf32, #tpu.memory_space<vmem_shared>>) dst(%dma_wait3A_16 : memref<640x64xf32, #tpu.memory_space<hbm>>)
      tpu.yield
    }) : () -> ()
    return
  }
}

#map = affine_map<(d0, d1) -> (0, 0)>
#map1 = affine_map<(d0, d1) -> (0, 0, 0, 0)>
#map2 = affine_map<(d0, d1) -> (0, 0, 0)>
module attributes {stable_mosaic.version = 14 : i64} {
  func.func @body(%arg0: i32, %arg1: i32, %arg2: memref<20480x64xf32, #tpu.memory_space<hbm>>, %arg3: memref<2x16x314x128xi32, #tpu.memory_space<hbm>>, %arg4: memref<16x314x128xi32, #tpu.memory_space<hbm>>, %arg5: memref<640x64xf32, #tpu.memory_space<hbm>>, %arg6: memref<2x10240x64xf32, #tpu.memory_space<hbm>>, %arg7: memref<314x128xi32, #tpu.memory_space<vmem>>, %arg8: memref<314x128xi32, #tpu.memory_space<vmem>>, %arg9: memref<128x64xf32, #tpu.memory_space<vmem>>, %arg10: memref<10240x64xf32, #tpu.memory_space<vmem_shared>>, %arg11: memref<!tpu.dma_semaphore, #tpu.memory_space<semaphore_mem>>) attributes {dimension_semantics = [#tpu.dimension_semantics<core_parallel>, #tpu.dimension_semantics<subcore_parallel>], iteration_bounds = array<i64: 2, 16>, scalar_prefetch = 0 : i64, scratch_operands = 5 : i64, tpu.core_type = #tpu.core_type<sc_vector_subcore>, window_params = [{transform_indices = #map}, {transform_indices = #map1}, {transform_indices = #map2}, {transform_indices = #map}, {transform_indices = #map2}]} {
    %mul3A = arith.constant 640 : i32
    %mul3A_0 = arith.muli %arg1, %mul3A : i32
    "tpu.region"() ({
      %run_scoped3A = tpu.sem_alloc : memref<!tpu.dma_semaphore, #tpu.memory_space<semaphore_mem>>
      %dma_start3A = arith.constant 0 : i32
      %dma_start3A_11 = tpu.memref_slice %arg10[%mul3A_0, %dma_start3A] : memref<10240x64xf32, #tpu.memory_space<vmem_shared>> -> memref<640x64xf32, #tpu.memory_space<vmem_shared>>
      tpu.enqueue_dma source(%arg5 : memref<640x64xf32, #tpu.memory_space<hbm>>) target(%dma_start3A_11 : memref<640x64xf32, #tpu.memory_space<vmem_shared>>) target_semaphore(%run_scoped3A : memref<!tpu.dma_semaphore, #tpu.memory_space<semaphore_mem>>)
      %dma_wait3A = arith.constant 0 : i32
      %dma_wait3A_12 = tpu.memref_slice %arg10[%mul3A_0, %dma_wait3A] : memref<10240x64xf32, #tpu.memory_space<vmem_shared>> -> memref<640x64xf32, #tpu.memory_space<vmem_shared>>
      tpu.wait_dma2 semaphore(%run_scoped3A : memref<!tpu.dma_semaphore, #tpu.memory_space<semaphore_mem>>) src(%arg5 : memref<640x64xf32, #tpu.memory_space<hbm>>) dst(%dma_wait3A_12 : memref<640x64xf32, #tpu.memory_space<vmem_shared>>)
      tpu.yield
    }) : () -> ()
    "tpu.region"() ({
      %run_scoped3A = tpu.sem_alloc : memref<!tpu.dma_semaphore, #tpu.memory_space<semaphore_mem>>
      %dma_start3A = arith.constant 0 : i32
      %dma_start3A_11 = arith.constant 0 : i32
      %dma_start3A_12 = tpu.memref_slice %arg3[%arg0, %arg1, %dma_start3A, %dma_start3A_11] : memref<2x16x314x128xi32, #tpu.memory_space<hbm>> -> memref<1x1x314x128xi32, #tpu.memory_space<hbm>>
      %dma_start3A_13 = tpu.memref_squeeze %dma_start3A_12 : memref<1x1x314x128xi32, #tpu.memory_space<hbm>> -> memref<314x128xi32, #tpu.memory_space<hbm>>
      %dma_start3A_14 = arith.constant 0 : i32
      %dma_start3A_15 = arith.constant 0 : i32
      %dma_start3A_16 = tpu.memref_slice %arg3[%arg0, %arg1, %dma_start3A_14, %dma_start3A_15] : memref<2x16x314x128xi32, #tpu.memory_space<hbm>> -> memref<1x1x314x128xi32, #tpu.memory_space<hbm>>
      %dma_start3A_17 = tpu.memref_squeeze %dma_start3A_16 : memref<1x1x314x128xi32, #tpu.memory_space<hbm>> -> memref<314x128xi32, #tpu.memory_space<hbm>>
      tpu.enqueue_dma source(%dma_start3A_17 : memref<314x128xi32, #tpu.memory_space<hbm>>) target(%arg7 : memref<314x128xi32, #tpu.memory_space<vmem>>) target_semaphore(%run_scoped3A : memref<!tpu.dma_semaphore, #tpu.memory_space<semaphore_mem>>)
      %dma_wait3A = arith.constant 0 : i32
      %dma_wait3A_18 = arith.constant 0 : i32
      %dma_wait3A_19 = tpu.memref_slice %arg3[%arg0, %arg1, %dma_wait3A, %dma_wait3A_18] : memref<2x16x314x128xi32, #tpu.memory_space<hbm>> -> memref<1x1x314x128xi32, #tpu.memory_space<hbm>>
      %dma_wait3A_20 = tpu.memref_squeeze %dma_wait3A_19 : memref<1x1x314x128xi32, #tpu.memory_space<hbm>> -> memref<314x128xi32, #tpu.memory_space<hbm>>
      %dma_wait3A_21 = arith.constant 0 : i32
      %dma_wait3A_22 = arith.constant 0 : i32
      %dma_wait3A_23 = tpu.memref_slice %arg3[%arg0, %arg1, %dma_wait3A_21, %dma_wait3A_22] : memref<2x16x314x128xi32, #tpu.memory_space<hbm>> -> memref<1x1x314x128xi32, #tpu.memory_space<hbm>>
      %dma_wait3A_24 = tpu.memref_squeeze %dma_wait3A_23 : memref<1x1x314x128xi32, #tpu.memory_space<hbm>> -> memref<314x128xi32, #tpu.memory_space<hbm>>
      tpu.wait_dma2 semaphore(%run_scoped3A : memref<!tpu.dma_semaphore, #tpu.memory_space<semaphore_mem>>) src(%dma_wait3A_24 : memref<314x128xi32, #tpu.memory_space<hbm>>) dst(%arg7 : memref<314x128xi32, #tpu.memory_space<vmem>>)
      tpu.yield
    }) : () -> ()
    "tpu.region"() ({
      %run_scoped3A = tpu.sem_alloc : memref<!tpu.dma_semaphore, #tpu.memory_space<semaphore_mem>>
      %dma_start3A = arith.constant 0 : i32
      %dma_start3A_11 = arith.constant 0 : i32
      %dma_start3A_12 = tpu.memref_slice %arg4[%arg1, %dma_start3A, %dma_start3A_11] : memref<16x314x128xi32, #tpu.memory_space<hbm>> -> memref<1x314x128xi32, #tpu.memory_space<hbm>>
      %dma_start3A_13 = tpu.memref_squeeze %dma_start3A_12 : memref<1x314x128xi32, #tpu.memory_space<hbm>> -> memref<314x128xi32, #tpu.memory_space<hbm>>
      %dma_start3A_14 = arith.constant 0 : i32
      %dma_start3A_15 = arith.constant 0 : i32
      %dma_start3A_16 = tpu.memref_slice %arg4[%arg1, %dma_start3A_14, %dma_start3A_15] : memref<16x314x128xi32, #tpu.memory_space<hbm>> -> memref<1x314x128xi32, #tpu.memory_space<hbm>>
      %dma_start3A_17 = tpu.memref_squeeze %dma_start3A_16 : memref<1x314x128xi32, #tpu.memory_space<hbm>> -> memref<314x128xi32, #tpu.memory_space<hbm>>
      tpu.enqueue_dma source(%dma_start3A_17 : memref<314x128xi32, #tpu.memory_space<hbm>>) target(%arg8 : memref<314x128xi32, #tpu.memory_space<vmem>>) target_semaphore(%run_scoped3A : memref<!tpu.dma_semaphore, #tpu.memory_space<semaphore_mem>>)
      %dma_wait3A = arith.constant 0 : i32
      %dma_wait3A_18 = arith.constant 0 : i32
      %dma_wait3A_19 = tpu.memref_slice %arg4[%arg1, %dma_wait3A, %dma_wait3A_18] : memref<16x314x128xi32, #tpu.memory_space<hbm>> -> memref<1x314x128xi32, #tpu.memory_space<hbm>>
      %dma_wait3A_20 = tpu.memref_squeeze %dma_wait3A_19 : memref<1x314x128xi32, #tpu.memory_space<hbm>> -> memref<314x128xi32, #tpu.memory_space<hbm>>
      %dma_wait3A_21 = arith.constant 0 : i32
      %dma_wait3A_22 = arith.constant 0 : i32
      %dma_wait3A_23 = tpu.memref_slice %arg4[%arg1, %dma_wait3A_21, %dma_wait3A_22] : memref<16x314x128xi32, #tpu.memory_space<hbm>> -> memref<1x314x128xi32, #tpu.memory_space<hbm>>
      %dma_wait3A_24 = tpu.memref_squeeze %dma_wait3A_23 : memref<1x314x128xi32, #tpu.memory_space<hbm>> -> memref<314x128xi32, #tpu.memory_space<hbm>>
      tpu.wait_dma2 semaphore(%run_scoped3A : memref<!tpu.dma_semaphore, #tpu.memory_space<semaphore_mem>>) src(%dma_wait3A_24 : memref<314x128xi32, #tpu.memory_space<hbm>>) dst(%arg8 : memref<314x128xi32, #tpu.memory_space<vmem>>)
      tpu.yield
    }) : () -> ()
    %barrier3A = arith.constant 0 : index
    tpu.barrier barrier_id(%barrier3A)
    %scan3A = arith.constant 0 : i32
    %scan3A_1 = arith.constant 0 : i32
    %scan3A_2 = arith.constant 314 : i32
    %scan3A_3 = arith.addi %scan3A_1, %scan3A_2 : i32
    %scan3A_4 = arith.constant 1 : i32
    scf.for %scan3A_11 = %scan3A_1 to %scan3A_3 step %scan3A_4  : i32 {
      %dma_start3A = arith.constant 0 : i32
      %dma_start3A_12 = tpu.memref_slice %arg7[%scan3A_11, %dma_start3A] : memref<314x128xi32, #tpu.memory_space<vmem>> -> memref<1x128xi32, #tpu.memory_space<vmem>>
      %dma_start3A_13 = tpu.memref_squeeze %dma_start3A_12 : memref<1x128xi32, #tpu.memory_space<vmem>> -> memref<128xi32, #tpu.memory_space<vmem>>
      %dma_start3A_14 = arith.constant 0 : i32
      %dma_start3A_15 = arith.constant 0 : i32
      %dma_start3A_16 = tpu.memref_slice %arg2[%dma_start3A_14, %dma_start3A_15] : memref<20480x64xf32, #tpu.memory_space<hbm>> -> memref<20480x64xf32, #tpu.memory_space<hbm>>
      tpu.enqueue_indirect_dma source(%dma_start3A_16 : memref<20480x64xf32, #tpu.memory_space<hbm>>) target(%arg9 : memref<128x64xf32, #tpu.memory_space<vmem>>) offsets(%dma_start3A_13 : memref<128xi32, #tpu.memory_space<vmem>>) semaphore(%arg11 : memref<!tpu.dma_semaphore, #tpu.memory_space<semaphore_mem>>)
      %dma_wait3A = arith.constant 0 : i32
      %dma_wait3A_17 = tpu.memref_slice %arg7[%scan3A_11, %dma_wait3A] : memref<314x128xi32, #tpu.memory_space<vmem>> -> memref<1x128xi32, #tpu.memory_space<vmem>>
      %dma_wait3A_18 = tpu.memref_squeeze %dma_wait3A_17 : memref<1x128xi32, #tpu.memory_space<vmem>> -> memref<128xi32, #tpu.memory_space<vmem>>
      %dma_wait3A_19 = arith.constant 0 : i32
      %dma_wait3A_20 = arith.constant 0 : i32
      %dma_wait3A_21 = tpu.memref_slice %arg2[%dma_wait3A_19, %dma_wait3A_20] : memref<20480x64xf32, #tpu.memory_space<hbm>> -> memref<20480x64xf32, #tpu.memory_space<hbm>>
      tpu.wait_indirect_dma semaphore(%arg11 : memref<!tpu.dma_semaphore, #tpu.memory_space<semaphore_mem>>) src(%dma_wait3A_21 : memref<20480x64xf32, #tpu.memory_space<hbm>>) dst(%arg9 : memref<128x64xf32, #tpu.memory_space<vmem>>)
      "tpu.region"() ({
        %run_scoped3A = tpu.sem_alloc : memref<!tpu.dma_semaphore, #tpu.memory_space<semaphore_mem>>
        %dma_start3A_22 = arith.constant 0 : i32
        %dma_start3A_23 = tpu.memref_slice %arg8[%scan3A_11, %dma_start3A_22] : memref<314x128xi32, #tpu.memory_space<vmem>> -> memref<1x128xi32, #tpu.memory_space<vmem>>
        %dma_start3A_24 = tpu.memref_squeeze %dma_start3A_23 : memref<1x128xi32, #tpu.memory_space<vmem>> -> memref<128xi32, #tpu.memory_space<vmem>>
        %dma_start3A_25 = arith.constant 0 : i32
        %dma_start3A_26 = arith.constant 0 : i32
        %dma_start3A_27 = tpu.memref_slice %arg10[%dma_start3A_25, %dma_start3A_26] : memref<10240x64xf32, #tpu.memory_space<vmem_shared>> -> memref<10240x64xf32, #tpu.memory_space<vmem_shared>>
        tpu.enqueue_indirect_dma source(%arg9 : memref<128x64xf32, #tpu.memory_space<vmem>>) target(%dma_start3A_27 : memref<10240x64xf32, #tpu.memory_space<vmem_shared>>) offsets(%dma_start3A_24 : memref<128xi32, #tpu.memory_space<vmem>>) semaphore(%run_scoped3A : memref<!tpu.dma_semaphore, #tpu.memory_space<semaphore_mem>>) {add = true}
        %dma_wait3A_28 = arith.constant 0 : i32
        %dma_wait3A_29 = tpu.memref_slice %arg8[%scan3A_11, %dma_wait3A_28] : memref<314x128xi32, #tpu.memory_space<vmem>> -> memref<1x128xi32, #tpu.memory_space<vmem>>
        %dma_wait3A_30 = tpu.memref_squeeze %dma_wait3A_29 : memref<1x128xi32, #tpu.memory_space<vmem>> -> memref<128xi32, #tpu.memory_space<vmem>>
        %dma_wait3A_31 = arith.constant 0 : i32
        %dma_wait3A_32 = arith.constant 0 : i32
        %dma_wait3A_33 = tpu.memref_slice %arg10[%dma_wait3A_31, %dma_wait3A_32] : memref<10240x64xf32, #tpu.memory_space<vmem_shared>> -> memref<10240x64xf32, #tpu.memory_space<vmem_shared>>
        tpu.wait_indirect_dma semaphore(%run_scoped3A : memref<!tpu.dma_semaphore, #tpu.memory_space<semaphore_mem>>) src(%arg9 : memref<128x64xf32, #tpu.memory_space<vmem>>) dst(%dma_wait3A_33 : memref<10240x64xf32, #tpu.memory_space<vmem_shared>>)
        tpu.yield
      }) : () -> ()
    }
    %scan3A_5 = arith.constant 314 : i32
    %barrier3A_6 = arith.constant 0 : index
    tpu.barrier barrier_id(%barrier3A_6)
    %mul3A_7 = arith.constant 640 : i32
    %mul3A_8 = arith.muli %arg1, %mul3A_7 : i32
    %mul3A_9 = arith.constant 640 : i32
    %mul3A_10 = arith.muli %arg1, %mul3A_9 : i32
    "tpu.region"() ({
      %run_scoped3A = tpu.sem_alloc : memref<!tpu.dma_semaphore, #tpu.memory_space<semaphore_mem>>
      %dma_start3A = arith.constant 0 : i32
      %dma_start3A_11 = tpu.memref_slice %arg6[%arg0, %mul3A_10, %dma_start3A] : memref<2x10240x64xf32, #tpu.memory_space<hbm>> -> memref<1x640x64xf32, #tpu.memory_space<hbm>>
      %dma_start3A_12 = tpu.memref_squeeze %dma_start3A_11 : memref<1x640x64xf32, #tpu.memory_space<hbm>> -> memref<640x64xf32, #tpu.memory_space<hbm>>
      %dma_start3A_13 = arith.constant 0 : i32
      %dma_start3A_14 = tpu.memref_slice %arg10[%mul3A_8, %dma_start3A_13] : memref<10240x64xf32, #tpu.memory_space<vmem_shared>> -> memref<640x64xf32, #tpu.memory_space<vmem_shared>>
      tpu.enqueue_dma source(%dma_start3A_14 : memref<640x64xf32, #tpu.memory_space<vmem_shared>>) target(%dma_start3A_12 : memref<640x64xf32, #tpu.memory_space<hbm>>) target_semaphore(%run_scoped3A : memref<!tpu.dma_semaphore, #tpu.memory_space<semaphore_mem>>)
      %dma_wait3A = arith.constant 0 : i32
      %dma_wait3A_15 = tpu.memref_slice %arg6[%arg0, %mul3A_10, %dma_wait3A] : memref<2x10240x64xf32, #tpu.memory_space<hbm>> -> memref<1x640x64xf32, #tpu.memory_space<hbm>>
      %dma_wait3A_16 = tpu.memref_squeeze %dma_wait3A_15 : memref<1x640x64xf32, #tpu.memory_space<hbm>> -> memref<640x64xf32, #tpu.memory_space<hbm>>
      %dma_wait3A_17 = arith.constant 0 : i32
      %dma_wait3A_18 = tpu.memref_slice %arg10[%mul3A_8, %dma_wait3A_17] : memref<10240x64xf32, #tpu.memory_space<vmem_shared>> -> memref<640x64xf32, #tpu.memory_space<vmem_shared>>
      tpu.wait_dma2 semaphore(%run_scoped3A : memref<!tpu.dma_semaphore, #tpu.memory_space<semaphore_mem>>) src(%dma_wait3A_18 : memref<640x64xf32, #tpu.memory_space<vmem_shared>>) dst(%dma_wait3A_16 : memref<640x64xf32, #tpu.memory_space<hbm>>)
      tpu.yield
    }) : () -> ()
    return
  }
}

#map = affine_map<(d0, d1) -> (0, 0)>
#map1 = affine_map<(d0, d1) -> (0, 0, 0, 0)>
#map2 = affine_map<(d0, d1) -> (0, 0, 0)>
module attributes {stable_mosaic.version = 14 : i64} {
  func.func @body(%arg0: i32, %arg1: i32, %arg2: memref<20480x64xf32, #tpu.memory_space<hbm>>, %arg3: memref<2x16x314x128xi32, #tpu.memory_space<hbm>>, %arg4: memref<16x314x128xi32, #tpu.memory_space<hbm>>, %arg5: memref<640x64xf32, #tpu.memory_space<hbm>>, %arg6: memref<2x10240x64xf32, #tpu.memory_space<hbm>>, %arg7: memref<314x128xi32, #tpu.memory_space<vmem>>, %arg8: memref<314x128xi32, #tpu.memory_space<vmem>>, %arg9: memref<128x64xf32, #tpu.memory_space<vmem>>, %arg10: memref<10240x64xf32, #tpu.memory_space<vmem_shared>>, %arg11: memref<!tpu.dma_semaphore, #tpu.memory_space<semaphore_mem>>) attributes {dimension_semantics = [#tpu.dimension_semantics<core_parallel>, #tpu.dimension_semantics<subcore_parallel>], iteration_bounds = array<i64: 2, 16>, scalar_prefetch = 0 : i64, scratch_operands = 5 : i64, tpu.core_type = #tpu.core_type<sc_vector_subcore>, window_params = [{transform_indices = #map}, {transform_indices = #map1}, {transform_indices = #map2}, {transform_indices = #map}, {transform_indices = #map2}]} {
    %mul3A = arith.constant 640 : i32
    %mul3A_0 = arith.muli %arg1, %mul3A : i32
    "tpu.region"() ({
      %run_scoped3A = tpu.sem_alloc : memref<!tpu.dma_semaphore, #tpu.memory_space<semaphore_mem>>
      %dma_start3A = arith.constant 0 : i32
      %dma_start3A_11 = tpu.memref_slice %arg10[%mul3A_0, %dma_start3A] : memref<10240x64xf32, #tpu.memory_space<vmem_shared>> -> memref<640x64xf32, #tpu.memory_space<vmem_shared>>
      tpu.enqueue_dma source(%arg5 : memref<640x64xf32, #tpu.memory_space<hbm>>) target(%dma_start3A_11 : memref<640x64xf32, #tpu.memory_space<vmem_shared>>) target_semaphore(%run_scoped3A : memref<!tpu.dma_semaphore, #tpu.memory_space<semaphore_mem>>)
      %dma_wait3A = arith.constant 0 : i32
      %dma_wait3A_12 = tpu.memref_slice %arg10[%mul3A_0, %dma_wait3A] : memref<10240x64xf32, #tpu.memory_space<vmem_shared>> -> memref<640x64xf32, #tpu.memory_space<vmem_shared>>
      tpu.wait_dma2 semaphore(%run_scoped3A : memref<!tpu.dma_semaphore, #tpu.memory_space<semaphore_mem>>) src(%arg5 : memref<640x64xf32, #tpu.memory_space<hbm>>) dst(%dma_wait3A_12 : memref<640x64xf32, #tpu.memory_space<vmem_shared>>)
      tpu.yield
    }) : () -> ()
    "tpu.region"() ({
      %run_scoped3A = tpu.sem_alloc : memref<!tpu.dma_semaphore, #tpu.memory_space<semaphore_mem>>
      %dma_start3A = arith.constant 0 : i32
      %dma_start3A_11 = arith.constant 0 : i32
      %dma_start3A_12 = tpu.memref_slice %arg3[%arg0, %arg1, %dma_start3A, %dma_start3A_11] : memref<2x16x314x128xi32, #tpu.memory_space<hbm>> -> memref<1x1x314x128xi32, #tpu.memory_space<hbm>>
      %dma_start3A_13 = tpu.memref_squeeze %dma_start3A_12 : memref<1x1x314x128xi32, #tpu.memory_space<hbm>> -> memref<314x128xi32, #tpu.memory_space<hbm>>
      %dma_start3A_14 = arith.constant 0 : i32
      %dma_start3A_15 = arith.constant 0 : i32
      %dma_start3A_16 = tpu.memref_slice %arg3[%arg0, %arg1, %dma_start3A_14, %dma_start3A_15] : memref<2x16x314x128xi32, #tpu.memory_space<hbm>> -> memref<1x1x314x128xi32, #tpu.memory_space<hbm>>
      %dma_start3A_17 = tpu.memref_squeeze %dma_start3A_16 : memref<1x1x314x128xi32, #tpu.memory_space<hbm>> -> memref<314x128xi32, #tpu.memory_space<hbm>>
      tpu.enqueue_dma source(%dma_start3A_17 : memref<314x128xi32, #tpu.memory_space<hbm>>) target(%arg7 : memref<314x128xi32, #tpu.memory_space<vmem>>) target_semaphore(%run_scoped3A : memref<!tpu.dma_semaphore, #tpu.memory_space<semaphore_mem>>)
      %dma_wait3A = arith.constant 0 : i32
      %dma_wait3A_18 = arith.constant 0 : i32
      %dma_wait3A_19 = tpu.memref_slice %arg3[%arg0, %arg1, %dma_wait3A, %dma_wait3A_18] : memref<2x16x314x128xi32, #tpu.memory_space<hbm>> -> memref<1x1x314x128xi32, #tpu.memory_space<hbm>>
      %dma_wait3A_20 = tpu.memref_squeeze %dma_wait3A_19 : memref<1x1x314x128xi32, #tpu.memory_space<hbm>> -> memref<314x128xi32, #tpu.memory_space<hbm>>
      %dma_wait3A_21 = arith.constant 0 : i32
      %dma_wait3A_22 = arith.constant 0 : i32
      %dma_wait3A_23 = tpu.memref_slice %arg3[%arg0, %arg1, %dma_wait3A_21, %dma_wait3A_22] : memref<2x16x314x128xi32, #tpu.memory_space<hbm>> -> memref<1x1x314x128xi32, #tpu.memory_space<hbm>>
      %dma_wait3A_24 = tpu.memref_squeeze %dma_wait3A_23 : memref<1x1x314x128xi32, #tpu.memory_space<hbm>> -> memref<314x128xi32, #tpu.memory_space<hbm>>
      tpu.wait_dma2 semaphore(%run_scoped3A : memref<!tpu.dma_semaphore, #tpu.memory_space<semaphore_mem>>) src(%dma_wait3A_24 : memref<314x128xi32, #tpu.memory_space<hbm>>) dst(%arg7 : memref<314x128xi32, #tpu.memory_space<vmem>>)
      tpu.yield
    }) : () -> ()
    "tpu.region"() ({
      %run_scoped3A = tpu.sem_alloc : memref<!tpu.dma_semaphore, #tpu.memory_space<semaphore_mem>>
      %dma_start3A = arith.constant 0 : i32
      %dma_start3A_11 = arith.constant 0 : i32
      %dma_start3A_12 = tpu.memref_slice %arg4[%arg1, %dma_start3A, %dma_start3A_11] : memref<16x314x128xi32, #tpu.memory_space<hbm>> -> memref<1x314x128xi32, #tpu.memory_space<hbm>>
      %dma_start3A_13 = tpu.memref_squeeze %dma_start3A_12 : memref<1x314x128xi32, #tpu.memory_space<hbm>> -> memref<314x128xi32, #tpu.memory_space<hbm>>
      %dma_start3A_14 = arith.constant 0 : i32
      %dma_start3A_15 = arith.constant 0 : i32
      %dma_start3A_16 = tpu.memref_slice %arg4[%arg1, %dma_start3A_14, %dma_start3A_15] : memref<16x314x128xi32, #tpu.memory_space<hbm>> -> memref<1x314x128xi32, #tpu.memory_space<hbm>>
      %dma_start3A_17 = tpu.memref_squeeze %dma_start3A_16 : memref<1x314x128xi32, #tpu.memory_space<hbm>> -> memref<314x128xi32, #tpu.memory_space<hbm>>
      tpu.enqueue_dma source(%dma_start3A_17 : memref<314x128xi32, #tpu.memory_space<hbm>>) target(%arg8 : memref<314x128xi32, #tpu.memory_space<vmem>>) target_semaphore(%run_scoped3A : memref<!tpu.dma_semaphore, #tpu.memory_space<semaphore_mem>>)
      %dma_wait3A = arith.constant 0 : i32
      %dma_wait3A_18 = arith.constant 0 : i32
      %dma_wait3A_19 = tpu.memref_slice %arg4[%arg1, %dma_wait3A, %dma_wait3A_18] : memref<16x314x128xi32, #tpu.memory_space<hbm>> -> memref<1x314x128xi32, #tpu.memory_space<hbm>>
      %dma_wait3A_20 = tpu.memref_squeeze %dma_wait3A_19 : memref<1x314x128xi32, #tpu.memory_space<hbm>> -> memref<314x128xi32, #tpu.memory_space<hbm>>
      %dma_wait3A_21 = arith.constant 0 : i32
      %dma_wait3A_22 = arith.constant 0 : i32
      %dma_wait3A_23 = tpu.memref_slice %arg4[%arg1, %dma_wait3A_21, %dma_wait3A_22] : memref<16x314x128xi32, #tpu.memory_space<hbm>> -> memref<1x314x128xi32, #tpu.memory_space<hbm>>
      %dma_wait3A_24 = tpu.memref_squeeze %dma_wait3A_23 : memref<1x314x128xi32, #tpu.memory_space<hbm>> -> memref<314x128xi32, #tpu.memory_space<hbm>>
      tpu.wait_dma2 semaphore(%run_scoped3A : memref<!tpu.dma_semaphore, #tpu.memory_space<semaphore_mem>>) src(%dma_wait3A_24 : memref<314x128xi32, #tpu.memory_space<hbm>>) dst(%arg8 : memref<314x128xi32, #tpu.memory_space<vmem>>)
      tpu.yield
    }) : () -> ()
    %barrier3A = arith.constant 0 : index
    tpu.barrier barrier_id(%barrier3A)
    %scan3A = arith.constant 0 : i32
    %scan3A_1 = arith.constant 0 : i32
    %scan3A_2 = arith.constant 314 : i32
    %scan3A_3 = arith.addi %scan3A_1, %scan3A_2 : i32
    %scan3A_4 = arith.constant 1 : i32
    scf.for %scan3A_11 = %scan3A_1 to %scan3A_3 step %scan3A_4  : i32 {
      %dma_start3A = arith.constant 0 : i32
      %dma_start3A_12 = tpu.memref_slice %arg7[%scan3A_11, %dma_start3A] : memref<314x128xi32, #tpu.memory_space<vmem>> -> memref<1x128xi32, #tpu.memory_space<vmem>>
      %dma_start3A_13 = tpu.memref_squeeze %dma_start3A_12 : memref<1x128xi32, #tpu.memory_space<vmem>> -> memref<128xi32, #tpu.memory_space<vmem>>
      %dma_start3A_14 = arith.constant 0 : i32
      %dma_start3A_15 = arith.constant 0 : i32
      %dma_start3A_16 = tpu.memref_slice %arg2[%dma_start3A_14, %dma_start3A_15] : memref<20480x64xf32, #tpu.memory_space<hbm>> -> memref<20480x64xf32, #tpu.memory_space<hbm>>
      tpu.enqueue_indirect_dma source(%dma_start3A_16 : memref<20480x64xf32, #tpu.memory_space<hbm>>) target(%arg9 : memref<128x64xf32, #tpu.memory_space<vmem>>) offsets(%dma_start3A_13 : memref<128xi32, #tpu.memory_space<vmem>>) semaphore(%arg11 : memref<!tpu.dma_semaphore, #tpu.memory_space<semaphore_mem>>)
      %dma_wait3A = arith.constant 0 : i32
      %dma_wait3A_17 = tpu.memref_slice %arg7[%scan3A_11, %dma_wait3A] : memref<314x128xi32, #tpu.memory_space<vmem>> -> memref<1x128xi32, #tpu.memory_space<vmem>>
      %dma_wait3A_18 = tpu.memref_squeeze %dma_wait3A_17 : memref<1x128xi32, #tpu.memory_space<vmem>> -> memref<128xi32, #tpu.memory_space<vmem>>
      %dma_wait3A_19 = arith.constant 0 : i32
      %dma_wait3A_20 = arith.constant 0 : i32
      %dma_wait3A_21 = tpu.memref_slice %arg2[%dma_wait3A_19, %dma_wait3A_20] : memref<20480x64xf32, #tpu.memory_space<hbm>> -> memref<20480x64xf32, #tpu.memory_space<hbm>>
      tpu.wait_indirect_dma semaphore(%arg11 : memref<!tpu.dma_semaphore, #tpu.memory_space<semaphore_mem>>) src(%dma_wait3A_21 : memref<20480x64xf32, #tpu.memory_space<hbm>>) dst(%arg9 : memref<128x64xf32, #tpu.memory_space<vmem>>)
      "tpu.region"() ({
        %run_scoped3A = tpu.sem_alloc : memref<!tpu.dma_semaphore, #tpu.memory_space<semaphore_mem>>
        %dma_start3A_22 = arith.constant 0 : i32
        %dma_start3A_23 = tpu.memref_slice %arg8[%scan3A_11, %dma_start3A_22] : memref<314x128xi32, #tpu.memory_space<vmem>> -> memref<1x128xi32, #tpu.memory_space<vmem>>
        %dma_start3A_24 = tpu.memref_squeeze %dma_start3A_23 : memref<1x128xi32, #tpu.memory_space<vmem>> -> memref<128xi32, #tpu.memory_space<vmem>>
        %dma_start3A_25 = arith.constant 0 : i32
        %dma_start3A_26 = arith.constant 0 : i32
        %dma_start3A_27 = tpu.memref_slice %arg10[%dma_start3A_25, %dma_start3A_26] : memref<10240x64xf32, #tpu.memory_space<vmem_shared>> -> memref<10240x64xf32, #tpu.memory_space<vmem_shared>>
        tpu.enqueue_indirect_dma source(%arg9 : memref<128x64xf32, #tpu.memory_space<vmem>>) target(%dma_start3A_27 : memref<10240x64xf32, #tpu.memory_space<vmem_shared>>) offsets(%dma_start3A_24 : memref<128xi32, #tpu.memory_space<vmem>>) semaphore(%run_scoped3A : memref<!tpu.dma_semaphore, #tpu.memory_space<semaphore_mem>>) {add = true}
        %dma_wait3A_28 = arith.constant 0 : i32
        %dma_wait3A_29 = tpu.memref_slice %arg8[%scan3A_11, %dma_wait3A_28] : memref<314x128xi32, #tpu.memory_space<vmem>> -> memref<1x128xi32, #tpu.memory_space<vmem>>
        %dma_wait3A_30 = tpu.memref_squeeze %dma_wait3A_29 : memref<1x128xi32, #tpu.memory_space<vmem>> -> memref<128xi32, #tpu.memory_space<vmem>>
        %dma_wait3A_31 = arith.constant 0 : i32
        %dma_wait3A_32 = arith.constant 0 : i32
        %dma_wait3A_33 = tpu.memref_slice %arg10[%dma_wait3A_31, %dma_wait3A_32] : memref<10240x64xf32, #tpu.memory_space<vmem_shared>> -> memref<10240x64xf32, #tpu.memory_space<vmem_shared>>
        tpu.wait_indirect_dma semaphore(%run_scoped3A : memref<!tpu.dma_semaphore, #tpu.memory_space<semaphore_mem>>) src(%arg9 : memref<128x64xf32, #tpu.memory_space<vmem>>) dst(%dma_wait3A_33 : memref<10240x64xf32, #tpu.memory_space<vmem_shared>>)
        tpu.yield
      }) : () -> ()
    }
    %scan3A_5 = arith.constant 314 : i32
    %barrier3A_6 = arith.constant 0 : index
    tpu.barrier barrier_id(%barrier3A_6)
    %mul3A_7 = arith.constant 640 : i32
    %mul3A_8 = arith.muli %arg1, %mul3A_7 : i32
    %mul3A_9 = arith.constant 640 : i32
    %mul3A_10 = arith.muli %arg1, %mul3A_9 : i32
    "tpu.region"() ({
      %run_scoped3A = tpu.sem_alloc : memref<!tpu.dma_semaphore, #tpu.memory_space<semaphore_mem>>
      %dma_start3A = arith.constant 0 : i32
      %dma_start3A_11 = tpu.memref_slice %arg6[%arg0, %mul3A_10, %dma_start3A] : memref<2x10240x64xf32, #tpu.memory_space<hbm>> -> memref<1x640x64xf32, #tpu.memory_space<hbm>>
      %dma_start3A_12 = tpu.memref_squeeze %dma_start3A_11 : memref<1x640x64xf32, #tpu.memory_space<hbm>> -> memref<640x64xf32, #tpu.memory_space<hbm>>
      %dma_start3A_13 = arith.constant 0 : i32
      %dma_start3A_14 = tpu.memref_slice %arg10[%mul3A_8, %dma_start3A_13] : memref<10240x64xf32, #tpu.memory_space<vmem_shared>> -> memref<640x64xf32, #tpu.memory_space<vmem_shared>>
      tpu.enqueue_dma source(%dma_start3A_14 : memref<640x64xf32, #tpu.memory_space<vmem_shared>>) target(%dma_start3A_12 : memref<640x64xf32, #tpu.memory_space<hbm>>) target_semaphore(%run_scoped3A : memref<!tpu.dma_semaphore, #tpu.memory_space<semaphore_mem>>)
      %dma_wait3A = arith.constant 0 : i32
      %dma_wait3A_15 = tpu.memref_slice %arg6[%arg0, %mul3A_10, %dma_wait3A] : memref<2x10240x64xf32, #tpu.memory_space<hbm>> -> memref<1x640x64xf32, #tpu.memory_space<hbm>>
      %dma_wait3A_16 = tpu.memref_squeeze %dma_wait3A_15 : memref<1x640x64xf32, #tpu.memory_space<hbm>> -> memref<640x64xf32, #tpu.memory_space<hbm>>
      %dma_wait3A_17 = arith.constant 0 : i32
      %dma_wait3A_18 = tpu.memref_slice %arg10[%mul3A_8, %dma_wait3A_17] : memref<10240x64xf32, #tpu.memory_space<vmem_shared>> -> memref<640x64xf32, #tpu.memory_space<vmem_shared>>
      tpu.wait_dma2 semaphore(%run_scoped3A : memref<!tpu.dma_semaphore, #tpu.memory_space<semaphore_mem>>) src(%dma_wait3A_18 : memref<640x64xf32, #tpu.memory_space<vmem_shared>>) dst(%dma_wait3A_16 : memref<640x64xf32, #tpu.memory_space<hbm>>)
      tpu.yield
    }) : () -> ()
    return
  }
}

module attributes {stable_mosaic.version = 14 : i64} {
  func.func @_pre_body(%arg0: i32, %arg1: memref<1024x256xf32, #tpu.memory_space<vmem>>, %arg2: memref<256x128xf32, #tpu.memory_space<vmem>>, %arg3: memref<1x128xf32, #tpu.memory_space<vmem>>, %arg4: memref<2x1024x64xf32, #tpu.memory_space<vmem>>) attributes {dimension_semantics = [#tpu.dimension_semantics<arbitrary>], iteration_bounds = array<i64: 10>, scalar_prefetch = 0 : i64, scratch_operands = 0 : i64, tpu.core_type = #tpu.core_type<tc>, window_params = [{transform_indices = @transform_0, window_bounds = array<i64: 1024, 256>}, {pipeline_mode = #tpu.pipeline_mode<synchronous>, transform_indices = @transform_1, window_bounds = array<i64: 256, 128>}, {pipeline_mode = #tpu.pipeline_mode<synchronous>, transform_indices = @transform_2, window_bounds = array<i64: 1, 128>}, {transform_indices = @transform_3, window_bounds = array<i64: 2, 1024, 64>}]} {
    %get3A = arith.constant 0 : index
    %get3A_0 = arith.constant 0 : index
    %get3A_1 = vector.load %arg1[%get3A, %get3A_0] : memref<1024x256xf32, #tpu.memory_space<vmem>>, vector<1024x256xf32>
    %get3A_2 = arith.constant 0 : index
    %get3A_3 = arith.constant 0 : index
    %get3A_4 = vector.load %arg2[%get3A_2, %get3A_3] : memref<256x128xf32, #tpu.memory_space<vmem>>, vector<256x128xf32>
    %dot_general3A = arith.constant dense<0.000000e+00> : vector<1024x128xf32>
    %dot_general3A_5 = tpu.matmul %get3A_1, %get3A_4, %dot_general3A {dimension_numbers = #tpu.dot_dimension_numbers<[1], [0], [0], [1], [0, 0, 1, 1], [], []>, transpose_lhs_hint = false} : vector<1024x256xf32>, vector<256x128xf32>, vector<1024x128xf32> -> vector<1024x128xf32>
    %get3A_6 = arith.constant 0 : index
    %get3A_7 = arith.constant 0 : index
    %get3A_8 = vector.load %arg3[%get3A_6, %get3A_7] : memref<1x128xf32, #tpu.memory_space<vmem>>, vector<1x128xf32>
    %add3A = vector.broadcast %get3A_8 : vector<1x128xf32> to vector<1024x128xf32>
    %add3A_9 = arith.addf %dot_general3A_5, %add3A : vector<1024x128xf32>
    %max3A = arith.constant 0.000000e+00 : f32
    %max3A_10 = vector.broadcast %max3A : f32 to vector<1024x128xf32>
    %max3A_11 = arith.maximumf %add3A_9, %max3A_10 : vector<1024x128xf32>
    %mul3A = arith.constant 1024 : i32
    %mul3A_12 = arith.muli %arg0, %mul3A : i32
    %iota3A = tpu.iota {dimensions = array<i32: 0>} : vector<1024x128xi32>
    %add3A_13 = vector.broadcast %mul3A_12 : i32 to vector<1024x128xi32>
    %add3A_14 = arith.addi %add3A_13, %iota3A : vector<1024x128xi32>
    %lt3A = arith.constant 10000 : i32
    %lt3A_15 = vector.broadcast %lt3A : i32 to vector<1024x128xi32>
    %lt3A_16 = arith.cmpi slt, %add3A_14, %lt3A_15 : vector<1024x128xi32>
    %jit3A = arith.constant 0.000000e+00 : f32
    %broadcast_in_dim3A = vector.broadcast %jit3A : f32 to vector<1024x128xf32>
    %select_n3A = arith.select %lt3A_16, %max3A_11, %broadcast_in_dim3A : vector<1024x128xi1>, vector<1024x128xf32>
    %slice3A = vector.extract_strided_slice %select_n3A {offsets = [0, 0], sizes = [1024, 64], strides = [1, 1]} : vector<1024x128xf32> to vector<1024x64xf32>
    %swap3A = arith.constant 0 : index
    %swap3A_17 = arith.constant 0 : index
    %swap3A_18 = arith.constant 0 : index
    %swap3A_19 = vector.load %arg4[%swap3A, %swap3A_17, %swap3A_18] : memref<2x1024x64xf32, #tpu.memory_space<vmem>>, vector<1x1024x64xf32>
    %swap3A_20 = vector.shape_cast %swap3A_19 : vector<1x1024x64xf32> to vector<1024x64xf32>
    %swap3A_21 = vector.shape_cast %slice3A : vector<1024x64xf32> to vector<1x1024x64xf32>
    tpu.vector_store %arg4[%swap3A, %swap3A_17, %swap3A_18], %swap3A_21 {strides = array<i32>} : memref<2x1024x64xf32, #tpu.memory_space<vmem>>, vector<1x1024x64xf32>,
    %slice3A_22 = vector.extract_strided_slice %select_n3A {offsets = [0, 64], sizes = [1024, 64], strides = [1, 1]} : vector<1024x128xf32> to vector<1024x64xf32>
    %swap3A_23 = arith.constant 1 : index
    %swap3A_24 = arith.constant 0 : index
    %swap3A_25 = arith.constant 0 : index
    %swap3A_26 = vector.load %arg4[%swap3A_23, %swap3A_24, %swap3A_25] : memref<2x1024x64xf32, #tpu.memory_space<vmem>>, vector<1x1024x64xf32>
    %swap3A_27 = vector.shape_cast %swap3A_26 : vector<1x1024x64xf32> to vector<1024x64xf32>
    %swap3A_28 = vector.shape_cast %slice3A_22 : vector<1024x64xf32> to vector<1x1024x64xf32>
    tpu.vector_store %arg4[%swap3A_23, %swap3A_24, %swap3A_25], %swap3A_28 {strides = array<i32>} : memref<2x1024x64xf32, #tpu.memory_space<vmem>>, vector<1x1024x64xf32>,
    return
  }
  func.func @transform_0(%arg0: i32) -> (i32, i32) {
    %c0_i32 = arith.constant 0 : i32
    %c0_i32_0 = arith.constant 0 : i32
    return %arg0, %c0_i32 : i32, i32
  }
  func.func @transform_1(%arg0: i32) -> (i32, i32) {
    %c0_i32 = arith.constant 0 : i32
    %c0_i32_0 = arith.constant 0 : i32
    %c0_i32_1 = arith.constant 0 : i32
    return %c0_i32, %c0_i32_0 : i32, i32
  }
  func.func @transform_2(%arg0: i32) -> (i32, i32) {
    %c0_i32 = arith.constant 0 : i32
    %c0_i32_0 = arith.constant 0 : i32
    %c0_i32_1 = arith.constant 0 : i32
    return %c0_i32, %c0_i32_0 : i32, i32
  }
  func.func @transform_3(%arg0: i32) -> (i32, i32, i32) {
    %c0_i32 = arith.constant 0 : i32
    %c0_i32_0 = arith.constant 0 : i32
    %c0_i32_1 = arith.constant 0 : i32
    return %c0_i32, %arg0, %c0_i32_0 : i32, i32, i32
  }
}

module attributes {stable_mosaic.version = 14 : i64} {
  func.func @_layer_body(%arg0: i32, %arg1: memref<1xf32, #tpu.memory_space<smem>>, %arg2: memref<2x1024x64xf32, #tpu.memory_space<vmem>>, %arg3: memref<2x1024x64xf32, #tpu.memory_space<vmem>>, %arg4: memref<128x128xf32, #tpu.memory_space<vmem>>, %arg5: memref<2x1024x64xf32, #tpu.memory_space<vmem>>) attributes {dimension_semantics = [#tpu.dimension_semantics<arbitrary>], iteration_bounds = array<i64: 10>, scalar_prefetch = 0 : i64, scratch_operands = 0 : i64, tpu.core_type = #tpu.core_type<tc>, window_params = [{transform_indices = @transform_0, window_bounds = array<i64: 1>}, {transform_indices = @transform_1, window_bounds = array<i64: 2, 1024, 64>}, {transform_indices = @transform_2, window_bounds = array<i64: 2, 1024, 64>}, {pipeline_mode = #tpu.pipeline_mode<synchronous>, transform_indices = @transform_3, window_bounds = array<i64: 128, 128>}, {transform_indices = @transform_4, window_bounds = array<i64: 2, 1024, 64>}]} {
    %get3A = arith.constant 0 : index
    %get3A_0 = memref.load %arg1[%get3A] : memref<1xf32, #tpu.memory_space<smem>>
    %get3A_1 = arith.constant 0 : index
    %get3A_2 = arith.constant 0 : index
    %get3A_3 = arith.constant 0 : index
    %get3A_4 = vector.load %arg2[%get3A_1, %get3A_2, %get3A_3] : memref<2x1024x64xf32, #tpu.memory_space<vmem>>, vector<1x1024x64xf32>
    %get3A_5 = vector.shape_cast %get3A_4 : vector<1x1024x64xf32> to vector<1024x64xf32>
    %get3A_6 = arith.constant 1 : index
    %get3A_7 = arith.constant 0 : index
    %get3A_8 = arith.constant 0 : index
    %get3A_9 = vector.load %arg2[%get3A_6, %get3A_7, %get3A_8] : memref<2x1024x64xf32, #tpu.memory_space<vmem>>, vector<1x1024x64xf32>
    %get3A_10 = vector.shape_cast %get3A_9 : vector<1x1024x64xf32> to vector<1024x64xf32>
    %concatenate3A = tpu.concatenate %get3A_5, %get3A_10 in 1 : vector<1024x64xf32>, vector<1024x64xf32> -> vector<1024x128xf32>
    %get3A_11 = arith.constant 0 : index
    %get3A_12 = arith.constant 0 : index
    %get3A_13 = arith.constant 0 : index
    %get3A_14 = vector.load %arg3[%get3A_11, %get3A_12, %get3A_13] : memref<2x1024x64xf32, #tpu.memory_space<vmem>>, vector<1x1024x64xf32>
    %get3A_15 = vector.shape_cast %get3A_14 : vector<1x1024x64xf32> to vector<1024x64xf32>
    %get3A_16 = arith.constant 1 : index
    %get3A_17 = arith.constant 0 : index
    %get3A_18 = arith.constant 0 : index
    %get3A_19 = vector.load %arg3[%get3A_16, %get3A_17, %get3A_18] : memref<2x1024x64xf32, #tpu.memory_space<vmem>>, vector<1x1024x64xf32>
    %get3A_20 = vector.shape_cast %get3A_19 : vector<1x1024x64xf32> to vector<1024x64xf32>
    %concatenate3A_21 = tpu.concatenate %get3A_15, %get3A_20 in 1 : vector<1024x64xf32>, vector<1024x64xf32> -> vector<1024x128xf32>
    %mul3A = arith.constant 0.899999976 : f32
    %mul3A_22 = vector.broadcast %mul3A : f32 to vector<1024x128xf32>
    %mul3A_23 = arith.mulf %mul3A_22, %concatenate3A : vector<1024x128xf32>
    %mul3A_24 = arith.constant 1.000000e-01 : f32
    %mul3A_25 = vector.broadcast %mul3A_24 : f32 to vector<1024x128xf32>
    %mul3A_26 = arith.mulf %mul3A_25, %concatenate3A_21 : vector<1024x128xf32>
    %add3A = arith.addf %mul3A_23, %mul3A_26 : vector<1024x128xf32>
    %get3A_27 = arith.constant 0 : index
    %get3A_28 = arith.constant 0 : index
    %get3A_29 = vector.load %arg4[%get3A_27, %get3A_28] : memref<128x128xf32, #tpu.memory_space<vmem>>, vector<128x128xf32>
    %dot_general3A = arith.constant dense<0.000000e+00> : vector<1024x128xf32>
    %dot_general3A_30 = tpu.matmul %add3A, %get3A_29, %dot_general3A {dimension_numbers = #tpu.dot_dimension_numbers<[1], [0], [0], [1], [0, 0, 1, 1], [], []>, transpose_lhs_hint = false} : vector<1024x128xf32>, vector<128x128xf32>, vector<1024x128xf32> -> vector<1024x128xf32>
    %sub3A = arith.constant 1.000000e+00 : f32
    %sub3A_31 = arith.subf %sub3A, %get3A_0 : f32
    %mul3A_32 = vector.broadcast %sub3A_31 : f32 to vector<1024x128xf32>
    %mul3A_33 = arith.mulf %mul3A_32, %add3A : vector<1024x128xf32>
    %mul3A_34 = vector.broadcast %get3A_0 : f32 to vector<1024x128xf32>
    %mul3A_35 = arith.mulf %mul3A_34, %dot_general3A_30 : vector<1024x128xf32>
    %add3A_36 = arith.addf %mul3A_33, %mul3A_35 : vector<1024x128xf32>
    %max3A = arith.constant 0.000000e+00 : f32
    %max3A_37 = vector.broadcast %max3A : f32 to vector<1024x128xf32>
    %max3A_38 = arith.maximumf %add3A_36, %max3A_37 : vector<1024x128xf32>
    %slice3A = vector.extract_strided_slice %max3A_38 {offsets = [0, 0], sizes = [1024, 64], strides = [1, 1]} : vector<1024x128xf32> to vector<1024x64xf32>
    %swap3A = arith.constant 0 : index
    %swap3A_39 = arith.constant 0 : index
    %swap3A_40 = arith.constant 0 : index
    %swap3A_41 = vector.load %arg5[%swap3A, %swap3A_39, %swap3A_40] : memref<2x1024x64xf32, #tpu.memory_space<vmem>>, vector<1x1024x64xf32>
    %swap3A_42 = vector.shape_cast %swap3A_41 : vector<1x1024x64xf32> to vector<1024x64xf32>
    %swap3A_43 = vector.shape_cast %slice3A : vector<1024x64xf32> to vector<1x1024x64xf32>
    tpu.vector_store %arg5[%swap3A, %swap3A_39, %swap3A_40], %swap3A_43 {strides = array<i32>} : memref<2x1024x64xf32, #tpu.memory_space<vmem>>, vector<1x1024x64xf32>,
    %slice3A_44 = vector.extract_strided_slice %max3A_38 {offsets = [0, 64], sizes = [1024, 64], strides = [1, 1]} : vector<1024x128xf32> to vector<1024x64xf32>
    %swap3A_45 = arith.constant 1 : index
    %swap3A_46 = arith.constant 0 : index
    %swap3A_47 = arith.constant 0 : index
    %swap3A_48 = vector.load %arg5[%swap3A_45, %swap3A_46, %swap3A_47] : memref<2x1024x64xf32, #tpu.memory_space<vmem>>, vector<1x1024x64xf32>
    %swap3A_49 = vector.shape_cast %swap3A_48 : vector<1x1024x64xf32> to vector<1024x64xf32>
    %swap3A_50 = vector.shape_cast %slice3A_44 : vector<1024x64xf32> to vector<1x1024x64xf32>
    tpu.vector_store %arg5[%swap3A_45, %swap3A_46, %swap3A_47], %swap3A_50 {strides = array<i32>} : memref<2x1024x64xf32, #tpu.memory_space<vmem>>, vector<1x1024x64xf32>,
    return
  }
  func.func @transform_0(%arg0: i32) -> i32 {
    %c0_i32 = arith.constant 0 : i32
    %c0_i32_0 = arith.constant 0 : i32
    return %c0_i32 : i32
  }
  func.func @transform_1(%arg0: i32) -> (i32, i32, i32) {
    %c0_i32 = arith.constant 0 : i32
    %c0_i32_0 = arith.constant 0 : i32
    %c0_i32_1 = arith.constant 0 : i32
    return %c0_i32, %arg0, %c0_i32_0 : i32, i32, i32
  }
  func.func @transform_2(%arg0: i32) -> (i32, i32, i32) {
    %c0_i32 = arith.constant 0 : i32
    %c0_i32_0 = arith.constant 0 : i32
    %c0_i32_1 = arith.constant 0 : i32
    return %c0_i32, %arg0, %c0_i32_0 : i32, i32, i32
  }
  func.func @transform_3(%arg0: i32) -> (i32, i32) {
    %c0_i32 = arith.constant 0 : i32
    %c0_i32_0 = arith.constant 0 : i32
    %c0_i32_1 = arith.constant 0 : i32
    return %c0_i32, %c0_i32_0 : i32, i32
  }
  func.func @transform_4(%arg0: i32) -> (i32, i32, i32) {
    %c0_i32 = arith.constant 0 : i32
    %c0_i32_0 = arith.constant 0 : i32
    %c0_i32_1 = arith.constant 0 : i32
    return %c0_i32, %arg0, %c0_i32_0 : i32, i32, i32
  }
}

module attributes {stable_mosaic.version = 14 : i64} {
  func.func @_out_body(%arg0: i32, %arg1: memref<2x1024x64xf32, #tpu.memory_space<vmem>>, %arg2: memref<128x128xf32, #tpu.memory_space<vmem>>, %arg3: memref<1x128xf32, #tpu.memory_space<vmem>>, %arg4: memref<1024x128xf32, #tpu.memory_space<vmem>>) attributes {dimension_semantics = [#tpu.dimension_semantics<arbitrary>], iteration_bounds = array<i64: 10>, scalar_prefetch = 0 : i64, scratch_operands = 0 : i64, tpu.core_type = #tpu.core_type<tc>, window_params = [{transform_indices = @transform_0, window_bounds = array<i64: 2, 1024, 64>}, {pipeline_mode = #tpu.pipeline_mode<synchronous>, transform_indices = @transform_1, window_bounds = array<i64: 128, 128>}, {pipeline_mode = #tpu.pipeline_mode<synchronous>, transform_indices = @transform_2, window_bounds = array<i64: 1, 128>}, {transform_indices = @transform_3, window_bounds = array<i64: 1024, 128>}]} {
    %get3A = arith.constant 0 : index
    %get3A_0 = arith.constant 0 : index
    %get3A_1 = arith.constant 0 : index
    %get3A_2 = vector.load %arg1[%get3A, %get3A_0, %get3A_1] : memref<2x1024x64xf32, #tpu.memory_space<vmem>>, vector<1x1024x64xf32>
    %get3A_3 = vector.shape_cast %get3A_2 : vector<1x1024x64xf32> to vector<1024x64xf32>
    %get3A_4 = arith.constant 1 : index
    %get3A_5 = arith.constant 0 : index
    %get3A_6 = arith.constant 0 : index
    %get3A_7 = vector.load %arg1[%get3A_4, %get3A_5, %get3A_6] : memref<2x1024x64xf32, #tpu.memory_space<vmem>>, vector<1x1024x64xf32>
    %get3A_8 = vector.shape_cast %get3A_7 : vector<1x1024x64xf32> to vector<1024x64xf32>
    %concatenate3A = tpu.concatenate %get3A_3, %get3A_8 in 1 : vector<1024x64xf32>, vector<1024x64xf32> -> vector<1024x128xf32>
    %get3A_9 = arith.constant 0 : index
    %get3A_10 = arith.constant 0 : index
    %get3A_11 = vector.load %arg2[%get3A_9, %get3A_10] : memref<128x128xf32, #tpu.memory_space<vmem>>, vector<128x128xf32>
    %dot_general3A = arith.constant dense<0.000000e+00> : vector<1024x128xf32>
    %dot_general3A_12 = tpu.matmul %concatenate3A, %get3A_11, %dot_general3A {dimension_numbers = #tpu.dot_dimension_numbers<[1], [0], [0], [1], [0, 0, 1, 1], [], []>, transpose_lhs_hint = false} : vector<1024x128xf32>, vector<128x128xf32>, vector<1024x128xf32> -> vector<1024x128xf32>
    %get3A_13 = arith.constant 0 : index
    %get3A_14 = arith.constant 0 : index
    %get3A_15 = vector.load %arg3[%get3A_13, %get3A_14] : memref<1x128xf32, #tpu.memory_space<vmem>>, vector<1x128xf32>
    %add3A = vector.broadcast %get3A_15 : vector<1x128xf32> to vector<1024x128xf32>
    %add3A_16 = arith.addf %dot_general3A_12, %add3A : vector<1024x128xf32>
    %swap3A = arith.constant 0 : index
    %swap3A_17 = arith.constant 0 : index
    %swap3A_18 = vector.load %arg4[%swap3A, %swap3A_17] : memref<1024x128xf32, #tpu.memory_space<vmem>>, vector<1024x128xf32>
    tpu.vector_store %arg4[%swap3A, %swap3A_17], %add3A_16 {strides = array<i32>} : memref<1024x128xf32, #tpu.memory_space<vmem>>, vector<1024x128xf32>,
    return
  }
  func.func @transform_0(%arg0: i32) -> (i32, i32, i32) {
    %c0_i32 = arith.constant 0 : i32
    %c0_i32_0 = arith.constant 0 : i32
    %c0_i32_1 = arith.constant 0 : i32
    return %c0_i32, %arg0, %c0_i32_0 : i32, i32, i32
  }
  func.func @transform_1(%arg0: i32) -> (i32, i32) {
    %c0_i32 = arith.constant 0 : i32
    %c0_i32_0 = arith.constant 0 : i32
    %c0_i32_1 = arith.constant 0 : i32
    return %c0_i32, %c0_i32_0 : i32, i32
  }
  func.func @transform_2(%arg0: i32) -> (i32, i32) {
    %c0_i32 = arith.constant 0 : i32
    %c0_i32_0 = arith.constant 0 : i32
    %c0_i32_1 = arith.constant 0 : i32
    return %c0_i32, %c0_i32_0 : i32, i32
  }
  func.func @transform_3(%arg0: i32) -> (i32, i32) {
    %c0_i32 = arith.constant 0 : i32
    %c0_i32_0 = arith.constant 0 : i32
    return %arg0, %c0_i32 : i32, i32
  }
}

</mosaic_0001>

<sc_bundles>
// kernel: kernel.12.cloned.1.call-start
scs
__scs_entry_jumppad:
0x0: {  	(pc) =	sbr.rel $0x88, $3  }
0x1: {  	(tag) =	ssettag $0x0;
	lr =	simm.s32 $0x1  }
0x2: {  	[smem:$0x3F9A] =	sst lr;
	_ =	strace $0xD0000000  }
0x3: {  	_ = 	snop  }
0x4: {  	_ = 	snop  }
0x5: {  	_ = 	snop  }
0x6: {  	_ = 	snop  }
0x7: {  	_ = 	snop  }
__scs_overlays_trampoline_lowered:
0x8: {  	[smem:$0x3FA9] =	sst s0  }
0x9: {  	[smem:$0x3FAA] =	sst s1  }
0xa: {  	[smem:$0x3FAB] =	sst s2  }
0xb: {  	[smem:$0x3FAC] =	sst s3  }
0xc: {  	[smem:$0x3FAD] =	sst s4  }
0xd: {  	[smem:$0x3FAE] =	sst s5  }
0xe: {  	[smem:$0x3FAF] =	sst s6  }
0xf: {  	[smem:$0x3FB0] =	sst s7  }
0x10: {  	[smem:$0x3FB1] =	sst s8  }
0x11: {  	[smem:$0x3FB2] =	sst s9;
	s0 =	simm.s32 @!p0 $0x0  }
0x12: {  	s1 =	sld [smem:$0x3F98];
	s0 =	simm.s32 @p0 $0x1  }
0x13: {  	[smem:$0x3FB3] =	sst s0;
	s0 =	simm.s32 @!p1 $0x0  }
0x14: {  	s2 =	sld [smem:$0x3F97];
	s0 =	simm.s32 @p1 $0x1  }
0x15: {  	[smem:$0x3FB4] =	sst s0;
	s0 =	simm.s32 @!p2 $0x0  }
0x16: {  	s3 =	sld [smem:$0x3FDB];
	s0 =	simm.s32 @p2 $0x1  }
0x17: {  	s4 =	simm.s32 $0x1BF5;
	[smem:$0x3FB6] =	sst s0  }
0x18: {  	s0 =	sld [smem:$0x3F99];
	_ =	swait.ge [sflag:s4], $0x0  }
0x19: {  	s7 =	sld [smem:$0x3F9A]  }
0x1a: {  	s8 =	sadd.s32 $0xFFFFE003, lr  }
0x1b: {  	s9 =	sadd.s32 $0xFFFFFEF7, lr;
	s5 =	simm.s32 $0xFFFFFFFF;
	p2 =	slt.u32 s8, $0xFFFFF086  }
0x1c: {  	p1 =	slt.u32 s9, $0xF7A;
	s5 =	simm.s32 @!p2 $0x0  }
0x1d: {  	s5 =	simm.s32 @p1 $0x1;
	p0 =	seq.s32 s7, s2  }
0x1e: {  	s7 =	smul.u32 @!p0 $0xF7A, s2;
	p2 =	seq.s32 @!p0 s5, $0x0  }
0x1f: {  	s9 =	smul.u32 $0xF7A, s1;
	s8 =	simm.s32 @!p0 $0x1BF5;
	p2 =	por !p2, p0  }
0x20: {  	[sflag:s8] =	ssyncset.s32 @!p0 $0xFFFFF086;
	s6 =	sadd.s32 @!p0 s3, s7;
	s7 =	simm.s32 @!p0 $0x108  }
0x21: {  	s3 =	sadd.s32 s3, s9;
	s6 =	sadd.s32 @!p0 $0x88, s6;
	s7 =	simm.s32 @p2 $0x1082  }
0x22: {  	[simem:s7], [sflag:s8] =	dma.local @!p0 [hbm:s6], $0xF7A  }
0x23: {  	s9 =	sor.u32 $0xD0000000, s2;
	s6 =	simm.s32 $0x108;
	_ =	swait.ge @!p0 [sflag:s8], $0x0  }
0x24: {  	s3 =	sadd.s32 $0x88, s3;
	s6 =	simm.s32 @!p1 $0x1082;
	[sflag:s4] =	ssyncset.s32 $0xFFFFF086  }
0x25: {  	[simem:s6], [sflag:s4] =	dma.local [hbm:s3], $0xF7A  }
0x26: {  	[smem:$0x3F9A] =	sst s1;
	(tag) =	ssettag s2;
	_ =	strace s9  }
0x27: {  	s1 =	sld [smem:$0x3FAA]  }
0x28: {  	s2 =	sld [smem:$0x3FAB]  }
0x29: {  	s4 =	sld [smem:$0x3FAD]  }
0x2a: {  	p0 =	seq.s32 s5, $0x0;
	s5 =	sld [smem:$0x3FAE]  }
0x2b: {  	s6 =	sld [smem:$0x3FAF]  }
0x2c: {  	s7 =	sld [smem:$0x3FB0]  }
0x2d: {  	s3 =	simm.s32 $0x108;
	s8 =	sld [smem:$0x3FB1]  }
0x2e: {  	s3 =	simm.s32 @!p0 $0x1082;
	s9 =	sld [smem:$0x3FB2]  }
0x2f: {  	lr =	sadd.s32 s0, s3;
	s0 =	sld [smem:$0x3FA9]  }
0x30: {  	s3 =	sld [smem:$0x3FAC]  }
0x31: {  	[smem:$0x3FB5] =	sst s10  }
0x32: {  	s10 =	sld [smem:$0x3FB3];
	_ =	sdelay $0x3  }
0x33: {  	p0 =	seq.s32 s10, $0x1;
	s10 =	sld [smem:$0x3FB5];
	_ =	sdelay $0x3  }
0x34: {  	[smem:$0x3FB5] =	sst s10  }
0x35: {  	s10 =	sld [smem:$0x3FB4];
	_ =	sdelay $0x3  }
0x36: {  	p1 =	seq.s32 s10, $0x1;
	s10 =	sld [smem:$0x3FB5];
	_ =	sdelay $0x3  }
0x37: {  	[smem:$0x3FB5] =	sst s10  }
0x38: {  	s10 =	sld [smem:$0x3FB6]  }
0x39: {  	_ = 	snop;
	(pc) =	sbr.ind lr, $3  }
0x3a: {  	_ = 	snop  }
0x3b: {  	_ = 	snop  }
0x3c: {  	p2 =	seq.s32 s10, $0x1;
	s10 =	sld [smem:$0x3FB5]  }
0x3d: {  	_ =	shalt  }
0x3e: {  	_ =	shalt  }
0x3f: {  	_ =	shalt  }
0x40: {  	_ =	shalt  }
0x41: {  	_ =	shalt  }
0x42: {  	_ =	shalt  }
0x43: {  	_ =	shalt  }
0x44: {  	_ =	shalt  }
0x45: {  	_ =	shalt  }
0x46: {  	_ =	shalt  }
0x47: {  	_ =	shalt  }
0x48: {  	_ =	shalt  }
0x49: {  	_ =	shalt  }
0x4a: {  	_ =	shalt  }
0x4b: {  	_ =	shalt  }
0x4c: {  	_ =	shalt  }
0x4d: {  	_ =	shalt  }
0x4e: {  	_ =	shalt  }
0x4f: {  	_ =	shalt  }
0x50: {  	_ =	shalt  }
0x51: {  	_ =	shalt  }
0x52: {  	_ =	shalt  }
0x53: {  	_ =	shalt  }
0x54: {  	_ =	shalt  }
0x55: {  	_ =	shalt  }
0x56: {  	_ =	shalt  }
0x57: {  	_ =	shalt  }
0x58: {  	_ =	shalt  }
0x59: {  	_ =	shalt  }
0x5a: {  	_ =	shalt  }
0x5b: {  	_ =	shalt  }
0x5c: {  	_ =	shalt  }
0x5d: {  	_ =	shalt  }
0x5e: {  	_ =	shalt  }
0x5f: {  	_ =	shalt  }
0x60: {  	_ =	shalt  }
0x61: {  	_ =	shalt  }
0x62: {  	_ =	shalt  }
0x63: {  	_ =	shalt  }
0x64: {  	_ =	shalt  }
0x65: {  	_ =	shalt  }
0x66: {  	_ =	shalt  }
0x67: {  	_ =	shalt  }
0x68: {  	_ =	shalt  }
0x69: {  	_ =	shalt  }
0x6a: {  	_ =	shalt  }
0x6b: {  	_ =	shalt  }
0x6c: {  	_ =	shalt  }
0x6d: {  	_ =	shalt  }
0x6e: {  	_ =	shalt  }
0x6f: {  	_ =	shalt  }
0x70: {  	_ =	shalt  }
0x71: {  	_ =	shalt  }
0x72: {  	_ =	shalt  }
0x73: {  	_ =	shalt  }
0x74: {  	_ =	shalt  }
0x75: {  	_ =	shalt  }
0x76: {  	_ =	shalt  }
0x77: {  	_ =	shalt  }
0x78: {  	_ =	shalt  }
0x79: {  	_ =	shalt  }
0x7a: {  	_ =	shalt  }
0x7b: {  	_ =	shalt  }
0x7c: {  	_ =	shalt  }
0x7d: {  	_ =	shalt  }
0x7e: {  	_ =	shalt  }
0x7f: {  	_ =	shalt  }
0x80: {  	_ =	shalt  }
0x81: {  	_ =	shalt  }
0x82: {  	_ =	shalt  }
0x83: {  	_ =	shalt  }
0x84: {  	_ =	shalt  }
0x85: {  	_ =	shalt  }
0x86: {  	_ =	shalt  }
0x87: {  	_ =	shalt  }
.Lfunc_end0:
.L_simem_size_0:
called_computation_lowered:
.L_overlay_start_0:
0x88: {  	s2 =	sld [smem:$0x3FD9]  }
0x89: {  	s3 =	sld [smem:$0x3FFE];
	_ =	sdelay $0x1  }
0x8a: {  	s1 =	srdreg.scid  }
0x8b: {  	s0 =	sand.u32 $0x1, s1  }
0x8c: {  	s17 =	sshll.u32 s0, $0xA;
	s2 =	sadd.s32 s3, s2  }
0x8d: {  	s2 =	sadd.s32 s2, s17  }
0x8e: {  	[smem:$0x3FC1] =	sst s2  }
0x8f: {  	_ = 	snop  }
0x90: {  	s2 =	sld [smem:$0x3FD0];
	(tm) =	ssettm $0x1  }
0x91: {  	s18 =	sld [smem:$0x3FFB];
	_ =	sdelay $0x3  }
0x92: {  	_ =	strace s18  }
0x93: {  	s3 =	sld [smem:$0x3FFC];
	_ =	sdelay $0x3  }
0x94: {  	_ =	strace s3  }
0x95: {  	s3 =	sld [smem:$0x3FFD];
	_ =	sdelay $0x3  }
0x96: {  	_ =	strace s3  }
0x97: {  	_ =	strace $0x8FFFFFFF  }
0x98: {  	s19 =	sld [smem:$0x3FDB];
	_ =	sdelay $0x1  }
0x99: {  	s4 =	simm.s32 $_scs_section_size  }
0x9a: {  	s5 =	simm.s32 $_size__tile_overlayer_lowered;
	s6 =	simm.s32 $_tile_overlayer_lowered  }
0x9b: {  	s22 =	simm.s32 $0x1BFF;
	s21 =	sshll.u32 s6, $0x1;
	s3 =	sadd.s32 s4, s19  }
0x9c: {  	s7 =	simm.s32 $0x0;
	s20 =	sshll.u32 s5, $0x1;
	s5 =	sadd.s32 s21, s3  }
0x9d: {  	[timem:s7], [sflag:s22] =	dma.local [hbm:s5], s20  }
0x9e: {  	_ =	swait.ge [sflag:s22], s20  }
0x9f: {  	s4 =	ssub.s32 $0x0, s20;
	[sflag:s22] =	ssyncset.done $0x0  }
0xa0: {  	[sflag:s22] =	ssyncadd.s32 s4;
	_ =	sdelay $0x1  }
0xa1: {  	s23 =	simm.s32 $0x1B8B  }
0xa2: {  	_ =	swait.ge [sflag:s23], $0x1  }
0xa3: {  	[sflag:s23] =	ssyncset.done $0x0  }
0xa4: {  	s25 =	simm.s32 $0x1B8E;
	s24 =	sld [smem:$0x3FFE];
	[sflag:s23] =	ssyncadd.s32 $0xFFFFFFFF  }
0xa5: {  	s26 =	simm.s32 $execute0_lowered;
	[smem:$0x3FD2] =	sst s25  }
0xa6: {  	s5 =	sshll.u32 s26, $0x1;
	_ =	strace $0x80000046;
	[dreg:$0x1] =	wrdreg $0xFFFFFFFF  }
0xa7: {  	s28 =	simm.s32 $_size_execute0_lowered;
	s3 =	sadd.s32 s3, s5;
	[dreg:$0x0] =	wrdreg $0x0  }
0xa8: {  	s5 =	sshll.u32 s28, $0x1;
	[dreg:$0x2] =	wrdreg s3  }
0xa9: {  	[dreg:$0x3] =	wrdreg s5  }
0xaa: {  	[dreg:$0x4] =	wrdreg $0xC0  }
0xab: {  	_ =	task [dreg:s7], $0x5FFFF  }
0xac: {  	[dreg:$0x1] =	wrdreg $0xFFFFFFFF  }
0xad: {  	[dreg:$0x0] =	wrdreg $0x60  }
0xae: {  	[dreg:$0x2] =	wrdreg s24  }
0xaf: {  	[dreg:$0x3] =	wrdreg s2  }
0xb0: {  	[dreg:$0x4] =	wrdreg $0x15A000  }
0xb1: {  	[dreg:$0x5] =	wrdreg $0x9  }
0xb2: {  	_ =	task.clear_ibuf [dreg:s7], $0x6FFFF;
	_ =	strace $0x90000046  }
0xb3: {  	s29 =	simm.s32 $0x9;
	_ =	strace $0x80000048  }
0xb4: {  	_ =	swait.ge [sflag:s29], $0x1  }
0xb5: {  	[sflag:s29] =	ssyncadd.s32 $0xFFFFFFFF  }
0xb6: {  	_ =	strace $0x90000048  }
0xb7: {  	_ =	sfence  }
0xb8: {  	s30 =	sld [smem:$0x0];
	_ =	sdelay $0x2  }
0xb9: {  	s31 =	sshll.u32 s1, $0xD;
	s1 =	sshrl.u32 s1, $0x2  }
0xba: {  	s3 =	sand.u32 $0x4000, s31;
	s1 =	sadd.s32 s1, s30  }
0xbb: {  	s0 =	sor.u32 s3, s0;
	s1 =	sshll.u32 s1, $0x11  }
0xbc: {  	s0 =	sor.u32 s1, s0  }
0xbd: {  	s0 =	sadd.s32 $0x8F2B, s0  }
0xbe: {  	[sflag:s0] =	ssyncadd.remote.s32 $0x1  }
0xbf: {  	_ =	sfence.sel $0xFFFF  }
0xc0: {  	[dreg:$0x0] =	wrdreg $0xFFFFFFFF;
	(pc) =	sbr.abs _section_cstart, $3  }
0xc1: {  	[dreg:$0x1] =	wrdreg $0xFFFFFFFF  }
0xc2: {  	_ =	task.clear_ibuf [dreg:s7], $0x2FFFF;
	_ =	strace $0x9FFFFFFF  }
0xc3: {  	(tm) =	ssettm $0x7FFFFFFF  }
tec
execute0_lowered:
.L_overlay_start_1:
0x0: {  	(tag) =	ssettag $0x1  }
0x1: {  	s6 =	rddreg [dreg:$0x0];
	s1 =	srdreg.scid  }
0x2: {  	s0 =	stileid.u32;
	s2 =	rddreg [dreg:$0x1]  }
0x3: {  	s3 =	rddreg [dreg:$0x2];
	s4 =	simm.s32 $0x0;
	s14 =	simm.s32 $0x80  }
0x4: {  	s15 =	simm.s32 $0x13A00;
	s16 =	simm.s32 $0x1;
	s8 =	smul.u32 $0x9D00, s0  }
0x5: {  	s7 =	sand.u32 $0x1, s1;
	s1 =	rddreg [dreg:$0x3];
	s9 =	smul.u32 $0xA000, s0  }
0x6: {  	s17 =	simm.s32 $0x0;
	[smem:$0x7FF] =	sst s4;
	s5 =	smul.u32 $0x9D000, s7  }
0x7: {  	s31 =	sshll.u32 s0, $0x6;
	s10 =	smul.u32 $0xA0000, s7;
	s7 =	ssub.s32 $0x2, s7  }
0x8: {  	_ =	strace $0x80000047;
	s30 =	sshrl.u32 s7, $0x1;
	s13 =	sadd.s32 s9, s3  }
0x9: {  	s5 =	sadd.s32 s8, s5;
	s10 =	sadd.s32 s9, s10;
	s8 =	sshrl.u32 s8, $0x3  }
0xa: {  	s12 =	ssub.s32 s7, s30;
	s11 =	sshrl.u32 s5, $0x3;
	s5 =	sadd.s32 $0x8D400, s6  }
0xb: {  	s10 =	sshrl.u32 s10, $0x3;
	s8 =	sadd.s32 s8, s6;
	s11 =	sadd.s32 s11, s6  }
0xc: {  	s10 =	sadd.s32 s10, s6;
	s6 =	sor.u32 $0x1C02, s31;
	s8 =	sadd.s32 $0xB5400, s8  }
0xd: {  	s7 =	sadd.s32 $0x16000, s11;
	s9 =	sadd.s32 $0xC8E00, s10;
	s10 =	smax.u32 s12, $0x1  }
0xe: {  	s11 =	sshrl.u32 s13, $0x3;
	s12 =	simm.s32 $0x2;
	s13 =	simm.s32 $0x9D00  }
.LBB2_1:
0xf: {  	[spmem:s11], [sflag:s6] =	dma.local [hbm:s2], $0x1400  }
0x10: {  	_ =	swait.ge [sflag:s12], $0x1400  }
0x11: {  	[sflag:s12] =	ssyncset.done $0x0  }
0x12: {  	[sflag:s12] =	ssyncadd.s32 $0xFFFFEC00  }
0x13: {  	[tilespmem:s4], [sflag:$0x2] =	stream.linear.gather [hbm4b:s7+s4], $0x9D00, $0x38;
	[tilespmem:$0x1FA00] =	vst v63  }
0x14: {  	_ =	swait.ge [sflag:s12], $0x9D00  }
0x15: {  	[sflag:s12] =	ssyncset.done $0x0  }
0x16: {  	[sflag:s12] =	ssyncadd.s32 $0xFFFF6300  }
0x17: {  	[tilespmem:s13], [sflag:$0x2] =	stream.linear.gather [hbm4b:s8+s4], $0x9D00, $0x38;
	[tilespmem:$0x1FA00] =	vst v63  }
0x18: {  	_ =	swait.ge [sflag:s12], $0x9D00  }
0x19: {  	[sflag:s12] =	ssyncset.done $0x0  }
0x1a: {  	[sflag:s12] =	ssyncadd.s32 $0xFFFF6300  }
0x1b: {  	s18 =	simm.s32 $0x0;
	[bflag:$0x0] =	sbarrier.arrive $0xFFFF  }
0x1c: {  	[tilespmem:s15], [sflag:$0x1] =	stream.indirect.gather [hbm4b:s5+s14], $0x40, s18, s14, $0xb8;
	[tilespmem:$0x1FA00] =	vst v63  }
0x1d: {  	_ =	swait.ge [sflag:s16], $0x2000  }
0x1e: {  	[sflag:s16] =	ssyncset.done $0x0  }
0x1f: {  	s31 =	simm.s32 $0x9D00;
	[sflag:s16] =	ssyncadd.s32 $0xFFFFE000  }
0x20: {  	[spmem:s3] =	stream.indirect.scatter.add.f32 [tilespmem:s15], [sflag:$0x2], $0x40, s31, s14, $0xb8;
	[tilespmem:$0x1FA00] =	vst v63  }
0x21: {  	_ =	swait.ge [sflag:s12], $0x2000  }
0x22: {  	s19 =	simm.s32 $0x400;
	s18 =	simm.s32 $0x200;
	[sflag:s12] =	ssyncset.done $0x0  }
.LBB2_2:
0x23: {  	s20 =	sshra.s32 s18, $0x2  }
0x24: {  	[sflag:s12] =	ssyncadd.s32 $0xFFFFE000;
	s18 =	smov.u32 s19;
	s21 =	sadd.s32 $0x200, s19  }
0x25: {  	[tilespmem:s15], [sflag:$0x1] =	stream.indirect.gather [hbm4b:s5+s14], $0x40, s20, s14, $0xb8;
	[tilespmem:$0x1FA00] =	vst v63  }
0x26: {  	p0 =	sne.s32 s19, $0x27200;
	_ =	swait.ge [sflag:s16], $0x2000  }
.Ltmp0:
0x27: {  	[sflag:s16] =	ssyncset.done $0x0;
	(pc) =	sbr.rel @p0 .LBB2_2-.Ltmp0, $4  }
0x28: {  	s19 =	sadd.s32 $0x9D00, s20;
	[sflag:s16] =	ssyncadd.s32 $0xFFFFE000  }
0x29: {  	[spmem:s3] =	stream.indirect.scatter.add.f32 [tilespmem:s15], [sflag:$0x2], $0x40, s19, s14, $0xb8;
	[tilespmem:$0x1FA00] =	vst v63  }
0x2a: {  	_ =	swait.ge [sflag:s12], $0x2000  }
0x2b: {  	s19 =	smov.u32 s21;
	[sflag:s12] =	ssyncset.done $0x0  }
0x2c: {  	s18 =	sshra.s32 s18, $0x2;
	[sflag:s12] =	ssyncadd.s32 $0xFFFFE000  }
0x2d: {  	[tilespmem:s15], [sflag:$0x1] =	stream.indirect.gather [hbm4b:s5+s14], $0x40, s18, s14, $0xb8;
	[tilespmem:$0x1FA00] =	vst v63  }
0x2e: {  	_ =	swait.ge [sflag:s16], $0x2000  }
0x2f: {  	[sflag:s16] =	ssyncset.done $0x0  }
0x30: {  	s18 =	sadd.s32 $0x9D00, s18;
	[sflag:s16] =	ssyncadd.s32 $0xFFFFE000  }
0x31: {  	[spmem:s3] =	stream.indirect.scatter.add.f32 [tilespmem:s15], [sflag:$0x2], $0x40, s18, s14, $0xb8;
	[tilespmem:$0x1FA00] =	vst v63  }
0x32: {  	_ =	swait.ge [sflag:s12], $0x2000  }
0x33: {  	s17 =	sadd.s32 $0x1, s17;
	[sflag:s12] =	ssyncset.done $0x0  }
0x34: {  	p0 =	sne.s32 s17, s10;
	[sflag:s12] =	ssyncadd.s32 $0xFFFFE000  }
.Ltmp1:
0x35: {  	[bflag:$0x0] =	sbarrier.arrive $0xFFFF;
	(pc) =	sbr.rel @p0 .LBB2_1-.Ltmp1, $4  }
0x36: {  	[hbm:s9], [sflag:s6] =	dma.local [spmem:s11], $0x1400  }
0x37: {  	_ =	swait.ge [sflag:s12], $0x1400  }
0x38: {  	[sflag:s12] =	ssyncset.done $0x0  }
0x39: {  	[sflag:s12] =	ssyncadd.s32 $0xFFFFEC00  }
0x3a: {  	_ =	sfence.sel $0x180000  }
0x3b: {  	[bflag:$0x0] =	sbarrier.arrive $0xFFFF  }
0x3c: {  	p0 =	sne.s32 s0, $0x0;
	_ =	strace $0x90000047  }
0x3d: {  	s0 =	sadd.s32 @!p0 $0x100000, s1;
	[bflag:$0x2] =	sbarrier.arrive $0xFFFF  }
0x3e: {  	[sflag:s0] =	ssyncadd.tile.s32 @!p0 $0x1;
	_ =	shalt  }
.Lfunc_end2:
_tile_overlayer_lowered:
.L_overlay_start_2:
0x3f: {  	(tag) =	ssettag $0x2  }
0x40: {  	s0 =	rddreg [dreg:$0x0];
	s2 =	stileid.u32  }
0x41: {  	s1 =	rddreg [dreg:$0x1];
	p0 =	sne.s32 s2, $0x0  }
0x42: {  	s3 =	rddreg [dreg:$0x2];
	[bflag:$0x3] =	sbarrier.arrive $0xFFFF;
	s2 =	simm.s32 @!p0 $0x1C02  }
0x43: {  	[timem:s3], [sflag:s2] =	dma.local @!p0 [hbm:s0], s1  }
0x44: {  	s0 =	simm.s32 @!p0 $0x2  }
0x45: {  	_ =	swait.ge @!p0 [sflag:s0], s1  }
0x46: {  	s1 =	ssub.s32 @!p0 $0x0, s1;
	[sflag:s0] =	ssyncset.done @!p0 $0x0  }
0x47: {  	[sflag:s0] =	ssyncadd.s32 @!p0 s1  }
0x48: {  	[bflag:$0x3] =	sbarrier.arrive $0xFFFF  }
0x49: {  	_ =	shalt  }

// kernel: kernel.15.cloned.1.call-start
scs
__scs_entry_jumppad:
0x0: {  	(pc) =	sbr.rel $0x88, $3  }
0x1: {  	(tag) =	ssettag $0x0;
	lr =	simm.s32 $0x1  }
0x2: {  	[smem:$0x3F9A] =	sst lr;
	_ =	strace $0xD0000000  }
0x3: {  	_ = 	snop  }
0x4: {  	_ = 	snop  }
0x5: {  	_ = 	snop  }
0x6: {  	_ = 	snop  }
0x7: {  	_ = 	snop  }
__scs_overlays_trampoline_lowered:
0x8: {  	[smem:$0x3FA9] =	sst s0  }
0x9: {  	[smem:$0x3FAA] =	sst s1  }
0xa: {  	[smem:$0x3FAB] =	sst s2  }
0xb: {  	[smem:$0x3FAC] =	sst s3  }
0xc: {  	[smem:$0x3FAD] =	sst s4  }
0xd: {  	[smem:$0x3FAE] =	sst s5  }
0xe: {  	[smem:$0x3FAF] =	sst s6  }
0xf: {  	[smem:$0x3FB0] =	sst s7  }
0x10: {  	[smem:$0x3FB1] =	sst s8  }
0x11: {  	[smem:$0x3FB2] =	sst s9;
	s0 =	simm.s32 @!p0 $0x0  }
0x12: {  	s1 =	sld [smem:$0x3F98];
	s0 =	simm.s32 @p0 $0x1  }
0x13: {  	[smem:$0x3FB3] =	sst s0;
	s0 =	simm.s32 @!p1 $0x0  }
0x14: {  	s2 =	sld [smem:$0x3F97];
	s0 =	simm.s32 @p1 $0x1  }
0x15: {  	[smem:$0x3FB4] =	sst s0;
	s0 =	simm.s32 @!p2 $0x0  }
0x16: {  	s3 =	sld [smem:$0x3FDB];
	s0 =	simm.s32 @p2 $0x1  }
0x17: {  	s4 =	simm.s32 $0x1BF5;
	[smem:$0x3FB6] =	sst s0  }
0x18: {  	s0 =	sld [smem:$0x3F99];
	_ =	swait.ge [sflag:s4], $0x0  }
0x19: {  	s7 =	sld [smem:$0x3F9A]  }
0x1a: {  	s8 =	sadd.s32 $0xFFFFE003, lr  }
0x1b: {  	s9 =	sadd.s32 $0xFFFFFEF7, lr;
	s5 =	simm.s32 $0xFFFFFFFF;
	p2 =	slt.u32 s8, $0xFFFFF086  }
0x1c: {  	p1 =	slt.u32 s9, $0xF7A;
	s5 =	simm.s32 @!p2 $0x0  }
0x1d: {  	s5 =	simm.s32 @p1 $0x1;
	p0 =	seq.s32 s7, s2  }
0x1e: {  	s7 =	smul.u32 @!p0 $0xF7A, s2;
	p2 =	seq.s32 @!p0 s5, $0x0  }
0x1f: {  	s9 =	smul.u32 $0xF7A, s1;
	s8 =	simm.s32 @!p0 $0x1BF5;
	p2 =	por !p2, p0  }
0x20: {  	[sflag:s8] =	ssyncset.s32 @!p0 $0xFFFFF086;
	s6 =	sadd.s32 @!p0 s3, s7;
	s7 =	simm.s32 @!p0 $0x108  }
0x21: {  	s3 =	sadd.s32 s3, s9;
	s6 =	sadd.s32 @!p0 $0x88, s6;
	s7 =	simm.s32 @p2 $0x1082  }
0x22: {  	[simem:s7], [sflag:s8] =	dma.local @!p0 [hbm:s6], $0xF7A  }
0x23: {  	s9 =	sor.u32 $0xD0000000, s2;
	s6 =	simm.s32 $0x108;
	_ =	swait.ge @!p0 [sflag:s8], $0x0  }
0x24: {  	s3 =	sadd.s32 $0x88, s3;
	s6 =	simm.s32 @!p1 $0x1082;
	[sflag:s4] =	ssyncset.s32 $0xFFFFF086  }
0x25: {  	[simem:s6], [sflag:s4] =	dma.local [hbm:s3], $0xF7A  }
0x26: {  	[smem:$0x3F9A] =	sst s1;
	(tag) =	ssettag s2;
	_ =	strace s9  }
0x27: {  	s1 =	sld [smem:$0x3FAA]  }
0x28: {  	s2 =	sld [smem:$0x3FAB]  }
0x29: {  	s4 =	sld [smem:$0x3FAD]  }
0x2a: {  	p0 =	seq.s32 s5, $0x0;
	s5 =	sld [smem:$0x3FAE]  }
0x2b: {  	s6 =	sld [smem:$0x3FAF]  }
0x2c: {  	s7 =	sld [smem:$0x3FB0]  }
0x2d: {  	s3 =	simm.s32 $0x108;
	s8 =	sld [smem:$0x3FB1]  }
0x2e: {  	s3 =	simm.s32 @!p0 $0x1082;
	s9 =	sld [smem:$0x3FB2]  }
0x2f: {  	lr =	sadd.s32 s0, s3;
	s0 =	sld [smem:$0x3FA9]  }
0x30: {  	s3 =	sld [smem:$0x3FAC]  }
0x31: {  	[smem:$0x3FB5] =	sst s10  }
0x32: {  	s10 =	sld [smem:$0x3FB3];
	_ =	sdelay $0x3  }
0x33: {  	p0 =	seq.s32 s10, $0x1;
	s10 =	sld [smem:$0x3FB5];
	_ =	sdelay $0x3  }
0x34: {  	[smem:$0x3FB5] =	sst s10  }
0x35: {  	s10 =	sld [smem:$0x3FB4];
	_ =	sdelay $0x3  }
0x36: {  	p1 =	seq.s32 s10, $0x1;
	s10 =	sld [smem:$0x3FB5];
	_ =	sdelay $0x3  }
0x37: {  	[smem:$0x3FB5] =	sst s10  }
0x38: {  	s10 =	sld [smem:$0x3FB6]  }
0x39: {  	_ = 	snop;
	(pc) =	sbr.ind lr, $3  }
0x3a: {  	_ = 	snop  }
0x3b: {  	_ = 	snop  }
0x3c: {  	p2 =	seq.s32 s10, $0x1;
	s10 =	sld [smem:$0x3FB5]  }
0x3d: {  	_ =	shalt  }
0x3e: {  	_ =	shalt  }
0x3f: {  	_ =	shalt  }
0x40: {  	_ =	shalt  }
0x41: {  	_ =	shalt  }
0x42: {  	_ =	shalt  }
0x43: {  	_ =	shalt  }
0x44: {  	_ =	shalt  }
0x45: {  	_ =	shalt  }
0x46: {  	_ =	shalt  }
0x47: {  	_ =	shalt  }
0x48: {  	_ =	shalt  }
0x49: {  	_ =	shalt  }
0x4a: {  	_ =	shalt  }
0x4b: {  	_ =	shalt  }
0x4c: {  	_ =	shalt  }
0x4d: {  	_ =	shalt  }
0x4e: {  	_ =	shalt  }
0x4f: {  	_ =	shalt  }
0x50: {  	_ =	shalt  }
0x51: {  	_ =	shalt  }
0x52: {  	_ =	shalt  }
0x53: {  	_ =	shalt  }
0x54: {  	_ =	shalt  }
0x55: {  	_ =	shalt  }
0x56: {  	_ =	shalt  }
0x57: {  	_ =	shalt  }
0x58: {  	_ =	shalt  }
0x59: {  	_ =	shalt  }
0x5a: {  	_ =	shalt  }
0x5b: {  	_ =	shalt  }
0x5c: {  	_ =	shalt  }
0x5d: {  	_ =	shalt  }
0x5e: {  	_ =	shalt  }
0x5f: {  	_ =	shalt  }
0x60: {  	_ =	shalt  }
0x61: {  	_ =	shalt  }
0x62: {  	_ =	shalt  }
0x63: {  	_ =	shalt  }
0x64: {  	_ =	shalt  }
0x65: {  	_ =	shalt  }
0x66: {  	_ =	shalt  }
0x67: {  	_ =	shalt  }
0x68: {  	_ =	shalt  }
0x69: {  	_ =	shalt  }
0x6a: {  	_ =	shalt  }
0x6b: {  	_ =	shalt  }
0x6c: {  	_ =	shalt  }
0x6d: {  	_ =	shalt  }
0x6e: {  	_ =	shalt  }
0x6f: {  	_ =	shalt  }
0x70: {  	_ =	shalt  }
0x71: {  	_ =	shalt  }
0x72: {  	_ =	shalt  }
0x73: {  	_ =	shalt  }
0x74: {  	_ =	shalt  }
0x75: {  	_ =	shalt  }
0x76: {  	_ =	shalt  }
0x77: {  	_ =	shalt  }
0x78: {  	_ =	shalt  }
0x79: {  	_ =	shalt  }
0x7a: {  	_ =	shalt  }
0x7b: {  	_ =	shalt  }
0x7c: {  	_ =	shalt  }
0x7d: {  	_ =	shalt  }
0x7e: {  	_ =	shalt  }
0x7f: {  	_ =	shalt  }
0x80: {  	_ =	shalt  }
0x81: {  	_ =	shalt  }
0x82: {  	_ =	shalt  }
0x83: {  	_ =	shalt  }
0x84: {  	_ =	shalt  }
0x85: {  	_ =	shalt  }
0x86: {  	_ =	shalt  }
0x87: {  	_ =	shalt  }
.Lfunc_end0:
.L_simem_size_0:
called_computation.1_lowered:
.L_overlay_start_0:
0x88: {  	s2 =	sld [smem:$0x3FD9]  }
0x89: {  	s3 =	sld [smem:$0x3FFE];
	_ =	sdelay $0x1  }
0x8a: {  	s1 =	srdreg.scid  }
0x8b: {  	s0 =	sand.u32 $0x1, s1  }
0x8c: {  	s17 =	sshll.u32 s0, $0xA;
	s2 =	sadd.s32 s3, s2  }
0x8d: {  	s2 =	sadd.s32 s2, s17  }
0x8e: {  	[smem:$0x3FC1] =	sst s2  }
0x8f: {  	_ = 	snop  }
0x90: {  	s2 =	sld [smem:$0x3FD0];
	(tm) =	ssettm $0x1  }
0x91: {  	s18 =	sld [smem:$0x3FFB];
	_ =	sdelay $0x3  }
0x92: {  	_ =	strace s18  }
0x93: {  	s3 =	sld [smem:$0x3FFC];
	_ =	sdelay $0x3  }
0x94: {  	_ =	strace s3  }
0x95: {  	s3 =	sld [smem:$0x3FFD];
	_ =	sdelay $0x3  }
0x96: {  	_ =	strace s3  }
0x97: {  	_ =	strace $0x8FFFFFFF  }
0x98: {  	s19 =	sld [smem:$0x3FDB];
	_ =	sdelay $0x1  }
0x99: {  	s4 =	simm.s32 $_scs_section_size  }
0x9a: {  	s5 =	simm.s32 $_size__tile_overlayer_lowered;
	s6 =	simm.s32 $_tile_overlayer_lowered  }
0x9b: {  	s22 =	simm.s32 $0x1BFF;
	s21 =	sshll.u32 s6, $0x1;
	s3 =	sadd.s32 s4, s19  }
0x9c: {  	s7 =	simm.s32 $0x0;
	s20 =	sshll.u32 s5, $0x1;
	s5 =	sadd.s32 s21, s3  }
0x9d: {  	[timem:s7], [sflag:s22] =	dma.local [hbm:s5], s20  }
0x9e: {  	_ =	swait.ge [sflag:s22], s20  }
0x9f: {  	s4 =	ssub.s32 $0x0, s20;
	[sflag:s22] =	ssyncset.done $0x0  }
0xa0: {  	[sflag:s22] =	ssyncadd.s32 s4;
	_ =	sdelay $0x1  }
0xa1: {  	s23 =	simm.s32 $0x1B8B  }
0xa2: {  	_ =	swait.ge [sflag:s23], $0x1  }
0xa3: {  	[sflag:s23] =	ssyncset.done $0x0  }
0xa4: {  	s25 =	simm.s32 $0x1B8E;
	s24 =	sld [smem:$0x3FFE];
	[sflag:s23] =	ssyncadd.s32 $0xFFFFFFFF  }
0xa5: {  	s26 =	simm.s32 $execute0_lowered;
	[smem:$0x3FD2] =	sst s25  }
0xa6: {  	s5 =	sshll.u32 s26, $0x1;
	_ =	strace $0x80000049;
	[dreg:$0x1] =	wrdreg $0xFFFFFFFF  }
0xa7: {  	s28 =	simm.s32 $_size_execute0_lowered;
	s3 =	sadd.s32 s3, s5;
	[dreg:$0x0] =	wrdreg $0x0  }
0xa8: {  	s5 =	sshll.u32 s28, $0x1;
	[dreg:$0x2] =	wrdreg s3  }
0xa9: {  	[dreg:$0x3] =	wrdreg s5  }
0xaa: {  	[dreg:$0x4] =	wrdreg $0xC0  }
0xab: {  	_ =	task [dreg:s7], $0x5FFFF  }
0xac: {  	[dreg:$0x1] =	wrdreg $0xFFFFFFFF  }
0xad: {  	[dreg:$0x0] =	wrdreg $0x60  }
0xae: {  	[dreg:$0x2] =	wrdreg s24  }
0xaf: {  	[dreg:$0x3] =	wrdreg s2  }
0xb0: {  	[dreg:$0x4] =	wrdreg $0x15A000  }
0xb1: {  	[dreg:$0x5] =	wrdreg $0x9  }
0xb2: {  	_ =	task.clear_ibuf [dreg:s7], $0x6FFFF;
	_ =	strace $0x90000049  }
0xb3: {  	s29 =	simm.s32 $0x9;
	_ =	strace $0x8000004B  }
0xb4: {  	_ =	swait.ge [sflag:s29], $0x1  }
0xb5: {  	[sflag:s29] =	ssyncadd.s32 $0xFFFFFFFF  }
0xb6: {  	_ =	strace $0x9000004B  }
0xb7: {  	_ =	sfence  }
0xb8: {  	s30 =	sld [smem:$0x0];
	_ =	sdelay $0x2  }
0xb9: {  	s31 =	sshll.u32 s1, $0xD;
	s1 =	sshrl.u32 s1, $0x2  }
0xba: {  	s3 =	sand.u32 $0x4000, s31;
	s1 =	sadd.s32 s1, s30  }
0xbb: {  	s0 =	sor.u32 s3, s0;
	s1 =	sshll.u32 s1, $0x11  }
0xbc: {  	s0 =	sor.u32 s1, s0  }
0xbd: {  	s0 =	sadd.s32 $0x8F2B, s0  }
0xbe: {  	[sflag:s0] =	ssyncadd.remote.s32 $0x1  }
0xbf: {  	_ =	sfence.sel $0xFFFF  }
0xc0: {  	[dreg:$0x0] =	wrdreg $0xFFFFFFFF;
	(pc) =	sbr.abs _section_cstart, $3  }
0xc1: {  	[dreg:$0x1] =	wrdreg $0xFFFFFFFF  }
0xc2: {  	_ =	task.clear_ibuf [dreg:s7], $0x2FFFF;
	_ =	strace $0x9FFFFFFF  }
0xc3: {  	(tm) =	ssettm $0x7FFFFFFF  }
tec
execute0_lowered:
.L_overlay_start_1:
0x0: {  	(tag) =	ssettag $0x1  }
0x1: {  	s6 =	rddreg [dreg:$0x0];
	s1 =	srdreg.scid  }
0x2: {  	s0 =	stileid.u32;
	s2 =	rddreg [dreg:$0x1]  }
0x3: {  	s3 =	rddreg [dreg:$0x2];
	s4 =	simm.s32 $0x0;
	s14 =	simm.s32 $0x80  }
0x4: {  	s15 =	simm.s32 $0x13A00;
	s16 =	simm.s32 $0x1;
	s8 =	smul.u32 $0x9D00, s0  }
0x5: {  	s7 =	sand.u32 $0x1, s1;
	s1 =	rddreg [dreg:$0x3];
	s9 =	smul.u32 $0xA000, s0  }
0x6: {  	s17 =	simm.s32 $0x0;
	[smem:$0x7FF] =	sst s4;
	s5 =	smul.u32 $0x9D000, s7  }
0x7: {  	s31 =	sshll.u32 s0, $0x6;
	s10 =	smul.u32 $0xA0000, s7;
	s7 =	ssub.s32 $0x2, s7  }
0x8: {  	_ =	strace $0x8000004A;
	s30 =	sshrl.u32 s7, $0x1;
	s13 =	sadd.s32 s9, s3  }
0x9: {  	s5 =	sadd.s32 s8, s5;
	s10 =	sadd.s32 s9, s10;
	s8 =	sshrl.u32 s8, $0x3  }
0xa: {  	s12 =	ssub.s32 s7, s30;
	s11 =	sshrl.u32 s5, $0x3;
	s5 =	sadd.s32 $0x8D400, s6  }
0xb: {  	s10 =	sshrl.u32 s10, $0x3;
	s8 =	sadd.s32 s8, s6;
	s11 =	sadd.s32 s11, s6  }
0xc: {  	s10 =	sadd.s32 s10, s6;
	s6 =	sor.u32 $0x1C02, s31;
	s8 =	sadd.s32 $0xB5400, s8  }
0xd: {  	s7 =	sadd.s32 $0x16000, s11;
	s9 =	sadd.s32 $0xC8E00, s10;
	s10 =	smax.u32 s12, $0x1  }
0xe: {  	s11 =	sshrl.u32 s13, $0x3;
	s12 =	simm.s32 $0x2;
	s13 =	simm.s32 $0x9D00  }
.LBB2_1:
0xf: {  	[spmem:s11], [sflag:s6] =	dma.local [hbm:s2], $0x1400  }
0x10: {  	_ =	swait.ge [sflag:s12], $0x1400  }
0x11: {  	[sflag:s12] =	ssyncset.done $0x0  }
0x12: {  	[sflag:s12] =	ssyncadd.s32 $0xFFFFEC00  }
0x13: {  	[tilespmem:s4], [sflag:$0x2] =	stream.linear.gather [hbm4b:s7+s4], $0x9D00, $0x38;
	[tilespmem:$0x1FA00] =	vst v63  }
0x14: {  	_ =	swait.ge [sflag:s12], $0x9D00  }
0x15: {  	[sflag:s12] =	ssyncset.done $0x0  }
0x16: {  	[sflag:s12] =	ssyncadd.s32 $0xFFFF6300  }
0x17: {  	[tilespmem:s13], [sflag:$0x2] =	stream.linear.gather [hbm4b:s8+s4], $0x9D00, $0x38;
	[tilespmem:$0x1FA00] =	vst v63  }
0x18: {  	_ =	swait.ge [sflag:s12], $0x9D00  }
0x19: {  	[sflag:s12] =	ssyncset.done $0x0  }
0x1a: {  	[sflag:s12] =	ssyncadd.s32 $0xFFFF6300  }
0x1b: {  	s18 =	simm.s32 $0x0;
	[bflag:$0x0] =	sbarrier.arrive $0xFFFF  }
0x1c: {  	[tilespmem:s15], [sflag:$0x1] =	stream.indirect.gather [hbm4b:s5+s14], $0x40, s18, s14, $0xb8;
	[tilespmem:$0x1FA00] =	vst v63  }
0x1d: {  	_ =	swait.ge [sflag:s16], $0x2000  }
0x1e: {  	[sflag:s16] =	ssyncset.done $0x0  }
0x1f: {  	s31 =	simm.s32 $0x9D00;
	[sflag:s16] =	ssyncadd.s32 $0xFFFFE000  }
0x20: {  	[spmem:s3] =	stream.indirect.scatter.add.f32 [tilespmem:s15], [sflag:$0x2], $0x40, s31, s14, $0xb8;
	[tilespmem:$0x1FA00] =	vst v63  }
0x21: {  	_ =	swait.ge [sflag:s12], $0x2000  }
0x22: {  	s19 =	simm.s32 $0x400;
	s18 =	simm.s32 $0x200;
	[sflag:s12] =	ssyncset.done $0x0  }
.LBB2_2:
0x23: {  	s20 =	sshra.s32 s18, $0x2  }
0x24: {  	[sflag:s12] =	ssyncadd.s32 $0xFFFFE000;
	s18 =	smov.u32 s19;
	s21 =	sadd.s32 $0x200, s19  }
0x25: {  	[tilespmem:s15], [sflag:$0x1] =	stream.indirect.gather [hbm4b:s5+s14], $0x40, s20, s14, $0xb8;
	[tilespmem:$0x1FA00] =	vst v63  }
0x26: {  	p0 =	sne.s32 s19, $0x27200;
	_ =	swait.ge [sflag:s16], $0x2000  }
.Ltmp0:
0x27: {  	[sflag:s16] =	ssyncset.done $0x0;
	(pc) =	sbr.rel @p0 .LBB2_2-.Ltmp0, $4  }
0x28: {  	s19 =	sadd.s32 $0x9D00, s20;
	[sflag:s16] =	ssyncadd.s32 $0xFFFFE000  }
0x29: {  	[spmem:s3] =	stream.indirect.scatter.add.f32 [tilespmem:s15], [sflag:$0x2], $0x40, s19, s14, $0xb8;
	[tilespmem:$0x1FA00] =	vst v63  }
0x2a: {  	_ =	swait.ge [sflag:s12], $0x2000  }
0x2b: {  	s19 =	smov.u32 s21;
	[sflag:s12] =	ssyncset.done $0x0  }
0x2c: {  	s18 =	sshra.s32 s18, $0x2;
	[sflag:s12] =	ssyncadd.s32 $0xFFFFE000  }
0x2d: {  	[tilespmem:s15], [sflag:$0x1] =	stream.indirect.gather [hbm4b:s5+s14], $0x40, s18, s14, $0xb8;
	[tilespmem:$0x1FA00] =	vst v63  }
0x2e: {  	_ =	swait.ge [sflag:s16], $0x2000  }
0x2f: {  	[sflag:s16] =	ssyncset.done $0x0  }
0x30: {  	s18 =	sadd.s32 $0x9D00, s18;
	[sflag:s16] =	ssyncadd.s32 $0xFFFFE000  }
0x31: {  	[spmem:s3] =	stream.indirect.scatter.add.f32 [tilespmem:s15], [sflag:$0x2], $0x40, s18, s14, $0xb8;
	[tilespmem:$0x1FA00] =	vst v63  }
0x32: {  	_ =	swait.ge [sflag:s12], $0x2000  }
0x33: {  	s17 =	sadd.s32 $0x1, s17;
	[sflag:s12] =	ssyncset.done $0x0  }
0x34: {  	p0 =	sne.s32 s17, s10;
	[sflag:s12] =	ssyncadd.s32 $0xFFFFE000  }
.Ltmp1:
0x35: {  	[bflag:$0x0] =	sbarrier.arrive $0xFFFF;
	(pc) =	sbr.rel @p0 .LBB2_1-.Ltmp1, $4  }
0x36: {  	[hbm:s9], [sflag:s6] =	dma.local [spmem:s11], $0x1400  }
0x37: {  	_ =	swait.ge [sflag:s12], $0x1400  }
0x38: {  	[sflag:s12] =	ssyncset.done $0x0  }
0x39: {  	[sflag:s12] =	ssyncadd.s32 $0xFFFFEC00  }
0x3a: {  	_ =	sfence.sel $0x180000  }
0x3b: {  	[bflag:$0x0] =	sbarrier.arrive $0xFFFF  }
0x3c: {  	p0 =	sne.s32 s0, $0x0;
	_ =	strace $0x9000004A  }
0x3d: {  	s0 =	sadd.s32 @!p0 $0x100000, s1;
	[bflag:$0x2] =	sbarrier.arrive $0xFFFF  }
0x3e: {  	[sflag:s0] =	ssyncadd.tile.s32 @!p0 $0x1;
	_ =	shalt  }
.Lfunc_end2:
_tile_overlayer_lowered:
.L_overlay_start_2:
0x3f: {  	(tag) =	ssettag $0x2  }
0x40: {  	s0 =	rddreg [dreg:$0x0];
	s2 =	stileid.u32  }
0x41: {  	s1 =	rddreg [dreg:$0x1];
	p0 =	sne.s32 s2, $0x0  }
0x42: {  	s3 =	rddreg [dreg:$0x2];
	[bflag:$0x3] =	sbarrier.arrive $0xFFFF;
	s2 =	simm.s32 @!p0 $0x1C02  }
0x43: {  	[timem:s3], [sflag:s2] =	dma.local @!p0 [hbm:s0], s1  }
0x44: {  	s0 =	simm.s32 @!p0 $0x2  }
0x45: {  	_ =	swait.ge @!p0 [sflag:s0], s1  }
0x46: {  	s1 =	ssub.s32 @!p0 $0x0, s1;
	[sflag:s0] =	ssyncset.done @!p0 $0x0  }
0x47: {  	[sflag:s0] =	ssyncadd.s32 @!p0 s1  }
0x48: {  	[bflag:$0x3] =	sbarrier.arrive $0xFFFF  }
0x49: {  	_ =	shalt  }

// kernel: kernel.18.cloned.1.call-start
scs
__scs_entry_jumppad:
0x0: {  	(pc) =	sbr.rel $0x88, $3  }
0x1: {  	(tag) =	ssettag $0x0;
	lr =	simm.s32 $0x1  }
0x2: {  	[smem:$0x3F9A] =	sst lr;
	_ =	strace $0xD0000000  }
0x3: {  	_ = 	snop  }
0x4: {  	_ = 	snop  }
0x5: {  	_ = 	snop  }
0x6: {  	_ = 	snop  }
0x7: {  	_ = 	snop  }
__scs_overlays_trampoline_lowered:
0x8: {  	[smem:$0x3FA9] =	sst s0  }
0x9: {  	[smem:$0x3FAA] =	sst s1  }
0xa: {  	[smem:$0x3FAB] =	sst s2  }
0xb: {  	[smem:$0x3FAC] =	sst s3  }
0xc: {  	[smem:$0x3FAD] =	sst s4  }
0xd: {  	[smem:$0x3FAE] =	sst s5  }
0xe: {  	[smem:$0x3FAF] =	sst s6  }
0xf: {  	[smem:$0x3FB0] =	sst s7  }
0x10: {  	[smem:$0x3FB1] =	sst s8  }
0x11: {  	[smem:$0x3FB2] =	sst s9;
	s0 =	simm.s32 @!p0 $0x0  }
0x12: {  	s1 =	sld [smem:$0x3F98];
	s0 =	simm.s32 @p0 $0x1  }
0x13: {  	[smem:$0x3FB3] =	sst s0;
	s0 =	simm.s32 @!p1 $0x0  }
0x14: {  	s2 =	sld [smem:$0x3F97];
	s0 =	simm.s32 @p1 $0x1  }
0x15: {  	[smem:$0x3FB4] =	sst s0;
	s0 =	simm.s32 @!p2 $0x0  }
0x16: {  	s3 =	sld [smem:$0x3FDB];
	s0 =	simm.s32 @p2 $0x1  }
0x17: {  	s4 =	simm.s32 $0x1BF5;
	[smem:$0x3FB6] =	sst s0  }
0x18: {  	s0 =	sld [smem:$0x3F99];
	_ =	swait.ge [sflag:s4], $0x0  }
0x19: {  	s7 =	sld [smem:$0x3F9A]  }
0x1a: {  	s8 =	sadd.s32 $0xFFFFE003, lr  }
0x1b: {  	s9 =	sadd.s32 $0xFFFFFEF7, lr;
	s5 =	simm.s32 $0xFFFFFFFF;
	p2 =	slt.u32 s8, $0xFFFFF086  }
0x1c: {  	p1 =	slt.u32 s9, $0xF7A;
	s5 =	simm.s32 @!p2 $0x0  }
0x1d: {  	s5 =	simm.s32 @p1 $0x1;
	p0 =	seq.s32 s7, s2  }
0x1e: {  	s7 =	smul.u32 @!p0 $0xF7A, s2;
	p2 =	seq.s32 @!p0 s5, $0x0  }
0x1f: {  	s9 =	smul.u32 $0xF7A, s1;
	s8 =	simm.s32 @!p0 $0x1BF5;
	p2 =	por !p2, p0  }
0x20: {  	[sflag:s8] =	ssyncset.s32 @!p0 $0xFFFFF086;
	s6 =	sadd.s32 @!p0 s3, s7;
	s7 =	simm.s32 @!p0 $0x108  }
0x21: {  	s3 =	sadd.s32 s3, s9;
	s6 =	sadd.s32 @!p0 $0x88, s6;
	s7 =	simm.s32 @p2 $0x1082  }
0x22: {  	[simem:s7], [sflag:s8] =	dma.local @!p0 [hbm:s6], $0xF7A  }
0x23: {  	s9 =	sor.u32 $0xD0000000, s2;
	s6 =	simm.s32 $0x108;
	_ =	swait.ge @!p0 [sflag:s8], $0x0  }
0x24: {  	s3 =	sadd.s32 $0x88, s3;
	s6 =	simm.s32 @!p1 $0x1082;
	[sflag:s4] =	ssyncset.s32 $0xFFFFF086  }
0x25: {  	[simem:s6], [sflag:s4] =	dma.local [hbm:s3], $0xF7A  }
0x26: {  	[smem:$0x3F9A] =	sst s1;
	(tag) =	ssettag s2;
	_ =	strace s9  }
0x27: {  	s1 =	sld [smem:$0x3FAA]  }
0x28: {  	s2 =	sld [smem:$0x3FAB]  }
0x29: {  	s4 =	sld [smem:$0x3FAD]  }
0x2a: {  	p0 =	seq.s32 s5, $0x0;
	s5 =	sld [smem:$0x3FAE]  }
0x2b: {  	s6 =	sld [smem:$0x3FAF]  }
0x2c: {  	s7 =	sld [smem:$0x3FB0]  }
0x2d: {  	s3 =	simm.s32 $0x108;
	s8 =	sld [smem:$0x3FB1]  }
0x2e: {  	s3 =	simm.s32 @!p0 $0x1082;
	s9 =	sld [smem:$0x3FB2]  }
0x2f: {  	lr =	sadd.s32 s0, s3;
	s0 =	sld [smem:$0x3FA9]  }
0x30: {  	s3 =	sld [smem:$0x3FAC]  }
0x31: {  	[smem:$0x3FB5] =	sst s10  }
0x32: {  	s10 =	sld [smem:$0x3FB3];
	_ =	sdelay $0x3  }
0x33: {  	p0 =	seq.s32 s10, $0x1;
	s10 =	sld [smem:$0x3FB5];
	_ =	sdelay $0x3  }
0x34: {  	[smem:$0x3FB5] =	sst s10  }
0x35: {  	s10 =	sld [smem:$0x3FB4];
	_ =	sdelay $0x3  }
0x36: {  	p1 =	seq.s32 s10, $0x1;
	s10 =	sld [smem:$0x3FB5];
	_ =	sdelay $0x3  }
0x37: {  	[smem:$0x3FB5] =	sst s10  }
0x38: {  	s10 =	sld [smem:$0x3FB6]  }
0x39: {  	_ = 	snop;
	(pc) =	sbr.ind lr, $3  }
0x3a: {  	_ = 	snop  }
0x3b: {  	_ = 	snop  }
0x3c: {  	p2 =	seq.s32 s10, $0x1;
	s10 =	sld [smem:$0x3FB5]  }
0x3d: {  	_ =	shalt  }
0x3e: {  	_ =	shalt  }
0x3f: {  	_ =	shalt  }
0x40: {  	_ =	shalt  }
0x41: {  	_ =	shalt  }
0x42: {  	_ =	shalt  }
0x43: {  	_ =	shalt  }
0x44: {  	_ =	shalt  }
0x45: {  	_ =	shalt  }
0x46: {  	_ =	shalt  }
0x47: {  	_ =	shalt  }
0x48: {  	_ =	shalt  }
0x49: {  	_ =	shalt  }
0x4a: {  	_ =	shalt  }
0x4b: {  	_ =	shalt  }
0x4c: {  	_ =	shalt  }
0x4d: {  	_ =	shalt  }
0x4e: {  	_ =	shalt  }
0x4f: {  	_ =	shalt  }
0x50: {  	_ =	shalt  }
0x51: {  	_ =	shalt  }
0x52: {  	_ =	shalt  }
0x53: {  	_ =	shalt  }
0x54: {  	_ =	shalt  }
0x55: {  	_ =	shalt  }
0x56: {  	_ =	shalt  }
0x57: {  	_ =	shalt  }
0x58: {  	_ =	shalt  }
0x59: {  	_ =	shalt  }
0x5a: {  	_ =	shalt  }
0x5b: {  	_ =	shalt  }
0x5c: {  	_ =	shalt  }
0x5d: {  	_ =	shalt  }
0x5e: {  	_ =	shalt  }
0x5f: {  	_ =	shalt  }
0x60: {  	_ =	shalt  }
0x61: {  	_ =	shalt  }
0x62: {  	_ =	shalt  }
0x63: {  	_ =	shalt  }
0x64: {  	_ =	shalt  }
0x65: {  	_ =	shalt  }
0x66: {  	_ =	shalt  }
0x67: {  	_ =	shalt  }
0x68: {  	_ =	shalt  }
0x69: {  	_ =	shalt  }
0x6a: {  	_ =	shalt  }
0x6b: {  	_ =	shalt  }
0x6c: {  	_ =	shalt  }
0x6d: {  	_ =	shalt  }
0x6e: {  	_ =	shalt  }
0x6f: {  	_ =	shalt  }
0x70: {  	_ =	shalt  }
0x71: {  	_ =	shalt  }
0x72: {  	_ =	shalt  }
0x73: {  	_ =	shalt  }
0x74: {  	_ =	shalt  }
0x75: {  	_ =	shalt  }
0x76: {  	_ =	shalt  }
0x77: {  	_ =	shalt  }
0x78: {  	_ =	shalt  }
0x79: {  	_ =	shalt  }
0x7a: {  	_ =	shalt  }
0x7b: {  	_ =	shalt  }
0x7c: {  	_ =	shalt  }
0x7d: {  	_ =	shalt  }
0x7e: {  	_ =	shalt  }
0x7f: {  	_ =	shalt  }
0x80: {  	_ =	shalt  }
0x81: {  	_ =	shalt  }
0x82: {  	_ =	shalt  }
0x83: {  	_ =	shalt  }
0x84: {  	_ =	shalt  }
0x85: {  	_ =	shalt  }
0x86: {  	_ =	shalt  }
0x87: {  	_ =	shalt  }
.Lfunc_end0:
.L_simem_size_0:
called_computation.2_lowered:
.L_overlay_start_0:
0x88: {  	s2 =	sld [smem:$0x3FD9]  }
0x89: {  	s3 =	sld [smem:$0x3FFE];
	_ =	sdelay $0x1  }
0x8a: {  	s1 =	srdreg.scid  }
0x8b: {  	s0 =	sand.u32 $0x1, s1  }
0x8c: {  	s17 =	sshll.u32 s0, $0xA;
	s2 =	sadd.s32 s3, s2  }
0x8d: {  	s2 =	sadd.s32 s2, s17  }
0x8e: {  	[smem:$0x3FC1] =	sst s2  }
0x8f: {  	_ = 	snop  }
0x90: {  	s2 =	sld [smem:$0x3FD0];
	(tm) =	ssettm $0x1  }
0x91: {  	s18 =	sld [smem:$0x3FFB];
	_ =	sdelay $0x3  }
0x92: {  	_ =	strace s18  }
0x93: {  	s3 =	sld [smem:$0x3FFC];
	_ =	sdelay $0x3  }
0x94: {  	_ =	strace s3  }
0x95: {  	s3 =	sld [smem:$0x3FFD];
	_ =	sdelay $0x3  }
0x96: {  	_ =	strace s3  }
0x97: {  	_ =	strace $0x8FFFFFFF  }
0x98: {  	s19 =	sld [smem:$0x3FDB];
	_ =	sdelay $0x1  }
0x99: {  	s4 =	simm.s32 $_scs_section_size  }
0x9a: {  	s5 =	simm.s32 $_size__tile_overlayer_lowered;
	s6 =	simm.s32 $_tile_overlayer_lowered  }
0x9b: {  	s22 =	simm.s32 $0x1BFF;
	s21 =	sshll.u32 s6, $0x1;
	s3 =	sadd.s32 s4, s19  }
0x9c: {  	s7 =	simm.s32 $0x0;
	s20 =	sshll.u32 s5, $0x1;
	s5 =	sadd.s32 s21, s3  }
0x9d: {  	[timem:s7], [sflag:s22] =	dma.local [hbm:s5], s20  }
0x9e: {  	_ =	swait.ge [sflag:s22], s20  }
0x9f: {  	s4 =	ssub.s32 $0x0, s20;
	[sflag:s22] =	ssyncset.done $0x0  }
0xa0: {  	[sflag:s22] =	ssyncadd.s32 s4;
	_ =	sdelay $0x1  }
0xa1: {  	s23 =	simm.s32 $0x1B8B  }
0xa2: {  	_ =	swait.ge [sflag:s23], $0x1  }
0xa3: {  	[sflag:s23] =	ssyncset.done $0x0  }
0xa4: {  	s25 =	simm.s32 $0x1B8E;
	s24 =	sld [smem:$0x3FFE];
	[sflag:s23] =	ssyncadd.s32 $0xFFFFFFFF  }
0xa5: {  	s26 =	simm.s32 $execute0_lowered;
	[smem:$0x3FD2] =	sst s25  }
0xa6: {  	s5 =	sshll.u32 s26, $0x1;
	_ =	strace $0x8000004C;
	[dreg:$0x1] =	wrdreg $0xFFFFFFFF  }
0xa7: {  	s28 =	simm.s32 $_size_execute0_lowered;
	s3 =	sadd.s32 s3, s5;
	[dreg:$0x0] =	wrdreg $0x0  }
0xa8: {  	s5 =	sshll.u32 s28, $0x1;
	[dreg:$0x2] =	wrdreg s3  }
0xa9: {  	[dreg:$0x3] =	wrdreg s5  }
0xaa: {  	[dreg:$0x4] =	wrdreg $0xC0  }
0xab: {  	_ =	task [dreg:s7], $0x5FFFF  }
0xac: {  	[dreg:$0x1] =	wrdreg $0xFFFFFFFF  }
0xad: {  	[dreg:$0x0] =	wrdreg $0x60  }
0xae: {  	[dreg:$0x2] =	wrdreg s24  }
0xaf: {  	[dreg:$0x3] =	wrdreg s2  }
0xb0: {  	[dreg:$0x4] =	wrdreg $0x15A000  }
0xb1: {  	[dreg:$0x5] =	wrdreg $0x9  }
0xb2: {  	_ =	task.clear_ibuf [dreg:s7], $0x6FFFF;
	_ =	strace $0x9000004C  }
0xb3: {  	s29 =	simm.s32 $0x9;
	_ =	strace $0x8000004E  }
0xb4: {  	_ =	swait.ge [sflag:s29], $0x1  }
0xb5: {  	[sflag:s29] =	ssyncadd.s32 $0xFFFFFFFF  }
0xb6: {  	_ =	strace $0x9000004E  }
0xb7: {  	_ =	sfence  }
0xb8: {  	s30 =	sld [smem:$0x0];
	_ =	sdelay $0x2  }
0xb9: {  	s31 =	sshll.u32 s1, $0xD;
	s1 =	sshrl.u32 s1, $0x2  }
0xba: {  	s3 =	sand.u32 $0x4000, s31;
	s1 =	sadd.s32 s1, s30  }
0xbb: {  	s0 =	sor.u32 s3, s0;
	s1 =	sshll.u32 s1, $0x11  }
0xbc: {  	s0 =	sor.u32 s1, s0  }
0xbd: {  	s0 =	sadd.s32 $0x8F2B, s0  }
0xbe: {  	[sflag:s0] =	ssyncadd.remote.s32 $0x1  }
0xbf: {  	_ =	sfence.sel $0xFFFF  }
0xc0: {  	[dreg:$0x0] =	wrdreg $0xFFFFFFFF;
	(pc) =	sbr.abs _section_cstart, $3  }
0xc1: {  	[dreg:$0x1] =	wrdreg $0xFFFFFFFF  }
0xc2: {  	_ =	task.clear_ibuf [dreg:s7], $0x2FFFF;
	_ =	strace $0x9FFFFFFF  }
0xc3: {  	(tm) =	ssettm $0x7FFFFFFF  }
tec
execute0_lowered:
.L_overlay_start_1:
0x0: {  	(tag) =	ssettag $0x1  }
0x1: {  	s6 =	rddreg [dreg:$0x0];
	s1 =	srdreg.scid  }
0x2: {  	s0 =	stileid.u32;
	s2 =	rddreg [dreg:$0x1]  }
0x3: {  	s3 =	rddreg [dreg:$0x2];
	s4 =	simm.s32 $0x0;
	s14 =	simm.s32 $0x80  }
0x4: {  	s15 =	simm.s32 $0x13A00;
	s16 =	simm.s32 $0x1;
	s8 =	smul.u32 $0x9D00, s0  }
0x5: {  	s7 =	sand.u32 $0x1, s1;
	s1 =	rddreg [dreg:$0x3];
	s9 =	smul.u32 $0xA000, s0  }
0x6: {  	s17 =	simm.s32 $0x0;
	[smem:$0x7FF] =	sst s4;
	s5 =	smul.u32 $0x9D000, s7  }
0x7: {  	s31 =	sshll.u32 s0, $0x6;
	s10 =	smul.u32 $0xA0000, s7;
	s7 =	ssub.s32 $0x2, s7  }
0x8: {  	_ =	strace $0x8000004D;
	s30 =	sshrl.u32 s7, $0x1;
	s13 =	sadd.s32 s9, s3  }
0x9: {  	s5 =	sadd.s32 s8, s5;
	s10 =	sadd.s32 s9, s10;
	s8 =	sshrl.u32 s8, $0x3  }
0xa: {  	s12 =	ssub.s32 s7, s30;
	s11 =	sshrl.u32 s5, $0x3;
	s5 =	sadd.s32 $0x8D400, s6  }
0xb: {  	s10 =	sshrl.u32 s10, $0x3;
	s8 =	sadd.s32 s8, s6;
	s11 =	sadd.s32 s11, s6  }
0xc: {  	s10 =	sadd.s32 s10, s6;
	s6 =	sor.u32 $0x1C02, s31;
	s8 =	sadd.s32 $0xB5400, s8  }
0xd: {  	s7 =	sadd.s32 $0x16000, s11;
	s9 =	sadd.s32 $0xC8E00, s10;
	s10 =	smax.u32 s12, $0x1  }
0xe: {  	s11 =	sshrl.u32 s13, $0x3;
	s12 =	simm.s32 $0x2;
	s13 =	simm.s32 $0x9D00  }
.LBB2_1:
0xf: {  	[spmem:s11], [sflag:s6] =	dma.local [hbm:s2], $0x1400  }
0x10: {  	_ =	swait.ge [sflag:s12], $0x1400  }
0x11: {  	[sflag:s12] =	ssyncset.done $0x0  }
0x12: {  	[sflag:s12] =	ssyncadd.s32 $0xFFFFEC00  }
0x13: {  	[tilespmem:s4], [sflag:$0x2] =	stream.linear.gather [hbm4b:s7+s4], $0x9D00, $0x38;
	[tilespmem:$0x1FA00] =	vst v63  }
0x14: {  	_ =	swait.ge [sflag:s12], $0x9D00  }
0x15: {  	[sflag:s12] =	ssyncset.done $0x0  }
0x16: {  	[sflag:s12] =	ssyncadd.s32 $0xFFFF6300  }
0x17: {  	[tilespmem:s13], [sflag:$0x2] =	stream.linear.gather [hbm4b:s8+s4], $0x9D00, $0x38;
	[tilespmem:$0x1FA00] =	vst v63  }
0x18: {  	_ =	swait.ge [sflag:s12], $0x9D00  }
0x19: {  	[sflag:s12] =	ssyncset.done $0x0  }
0x1a: {  	[sflag:s12] =	ssyncadd.s32 $0xFFFF6300  }
0x1b: {  	s18 =	simm.s32 $0x0;
	[bflag:$0x0] =	sbarrier.arrive $0xFFFF  }
0x1c: {  	[tilespmem:s15], [sflag:$0x1] =	stream.indirect.gather [hbm4b:s5+s14], $0x40, s18, s14, $0xb8;
	[tilespmem:$0x1FA00] =	vst v63  }
0x1d: {  	_ =	swait.ge [sflag:s16], $0x2000  }
0x1e: {  	[sflag:s16] =	ssyncset.done $0x0  }
0x1f: {  	s31 =	simm.s32 $0x9D00;
	[sflag:s16] =	ssyncadd.s32 $0xFFFFE000  }
0x20: {  	[spmem:s3] =	stream.indirect.scatter.add.f32 [tilespmem:s15], [sflag:$0x2], $0x40, s31, s14, $0xb8;
	[tilespmem:$0x1FA00] =	vst v63  }
0x21: {  	_ =	swait.ge [sflag:s12], $0x2000  }
0x22: {  	s19 =	simm.s32 $0x400;
	s18 =	simm.s32 $0x200;
	[sflag:s12] =	ssyncset.done $0x0  }
.LBB2_2:
0x23: {  	s20 =	sshra.s32 s18, $0x2  }
0x24: {  	[sflag:s12] =	ssyncadd.s32 $0xFFFFE000;
	s18 =	smov.u32 s19;
	s21 =	sadd.s32 $0x200, s19  }
0x25: {  	[tilespmem:s15], [sflag:$0x1] =	stream.indirect.gather [hbm4b:s5+s14], $0x40, s20, s14, $0xb8;
	[tilespmem:$0x1FA00] =	vst v63  }
0x26: {  	p0 =	sne.s32 s19, $0x27200;
	_ =	swait.ge [sflag:s16], $0x2000  }
.Ltmp0:
0x27: {  	[sflag:s16] =	ssyncset.done $0x0;
	(pc) =	sbr.rel @p0 .LBB2_2-.Ltmp0, $4  }
0x28: {  	s19 =	sadd.s32 $0x9D00, s20;
	[sflag:s16] =	ssyncadd.s32 $0xFFFFE000  }
0x29: {  	[spmem:s3] =	stream.indirect.scatter.add.f32 [tilespmem:s15], [sflag:$0x2], $0x40, s19, s14, $0xb8;
	[tilespmem:$0x1FA00] =	vst v63  }
0x2a: {  	_ =	swait.ge [sflag:s12], $0x2000  }
0x2b: {  	s19 =	smov.u32 s21;
	[sflag:s12] =	ssyncset.done $0x0  }
0x2c: {  	s18 =	sshra.s32 s18, $0x2;
	[sflag:s12] =	ssyncadd.s32 $0xFFFFE000  }
0x2d: {  	[tilespmem:s15], [sflag:$0x1] =	stream.indirect.gather [hbm4b:s5+s14], $0x40, s18, s14, $0xb8;
	[tilespmem:$0x1FA00] =	vst v63  }
0x2e: {  	_ =	swait.ge [sflag:s16], $0x2000  }
0x2f: {  	[sflag:s16] =	ssyncset.done $0x0  }
0x30: {  	s18 =	sadd.s32 $0x9D00, s18;
	[sflag:s16] =	ssyncadd.s32 $0xFFFFE000  }
0x31: {  	[spmem:s3] =	stream.indirect.scatter.add.f32 [tilespmem:s15], [sflag:$0x2], $0x40, s18, s14, $0xb8;
	[tilespmem:$0x1FA00] =	vst v63  }
0x32: {  	_ =	swait.ge [sflag:s12], $0x2000  }
0x33: {  	s17 =	sadd.s32 $0x1, s17;
	[sflag:s12] =	ssyncset.done $0x0  }
0x34: {  	p0 =	sne.s32 s17, s10;
	[sflag:s12] =	ssyncadd.s32 $0xFFFFE000  }
.Ltmp1:
0x35: {  	[bflag:$0x0] =	sbarrier.arrive $0xFFFF;
	(pc) =	sbr.rel @p0 .LBB2_1-.Ltmp1, $4  }
0x36: {  	[hbm:s9], [sflag:s6] =	dma.local [spmem:s11], $0x1400  }
0x37: {  	_ =	swait.ge [sflag:s12], $0x1400  }
0x38: {  	[sflag:s12] =	ssyncset.done $0x0  }
0x39: {  	[sflag:s12] =	ssyncadd.s32 $0xFFFFEC00  }
0x3a: {  	_ =	sfence.sel $0x180000  }
0x3b: {  	[bflag:$0x0] =	sbarrier.arrive $0xFFFF  }
0x3c: {  	p0 =	sne.s32 s0, $0x0;
	_ =	strace $0x9000004D  }
0x3d: {  	s0 =	sadd.s32 @!p0 $0x100000, s1;
	[bflag:$0x2] =	sbarrier.arrive $0xFFFF  }
0x3e: {  	[sflag:s0] =	ssyncadd.tile.s32 @!p0 $0x1;
	_ =	shalt  }
.Lfunc_end2:
_tile_overlayer_lowered:
.L_overlay_start_2:
0x3f: {  	(tag) =	ssettag $0x2  }
0x40: {  	s0 =	rddreg [dreg:$0x0];
	s2 =	stileid.u32  }
0x41: {  	s1 =	rddreg [dreg:$0x1];
	p0 =	sne.s32 s2, $0x0  }
0x42: {  	s3 =	rddreg [dreg:$0x2];
	[bflag:$0x3] =	sbarrier.arrive $0xFFFF;
	s2 =	simm.s32 @!p0 $0x1C02  }
0x43: {  	[timem:s3], [sflag:s2] =	dma.local @!p0 [hbm:s0], s1  }
0x44: {  	s0 =	simm.s32 @!p0 $0x2  }
0x45: {  	_ =	swait.ge @!p0 [sflag:s0], s1  }
0x46: {  	s1 =	ssub.s32 @!p0 $0x0, s1;
	[sflag:s0] =	ssyncset.done @!p0 $0x0  }
0x47: {  	[sflag:s0] =	ssyncadd.s32 @!p0 s1  }
0x48: {  	[bflag:$0x3] =	sbarrier.arrive $0xFFFF  }
0x49: {  	_ =	shalt  }

// kernel: kernel.21.cloned.1.call-start
scs
__scs_entry_jumppad:
0x0: {  	(pc) =	sbr.rel $0x88, $3  }
0x1: {  	(tag) =	ssettag $0x0;
	lr =	simm.s32 $0x1  }
0x2: {  	[smem:$0x3F9A] =	sst lr;
	_ =	strace $0xD0000000  }
0x3: {  	_ = 	snop  }
0x4: {  	_ = 	snop  }
0x5: {  	_ = 	snop  }
0x6: {  	_ = 	snop  }
0x7: {  	_ = 	snop  }
__scs_overlays_trampoline_lowered:
0x8: {  	[smem:$0x3FA9] =	sst s0  }
0x9: {  	[smem:$0x3FAA] =	sst s1  }
0xa: {  	[smem:$0x3FAB] =	sst s2  }
0xb: {  	[smem:$0x3FAC] =	sst s3  }
0xc: {  	[smem:$0x3FAD] =	sst s4  }
0xd: {  	[smem:$0x3FAE] =	sst s5  }
0xe: {  	[smem:$0x3FAF] =	sst s6  }
0xf: {  	[smem:$0x3FB0] =	sst s7  }
0x10: {  	[smem:$0x3FB1] =	sst s8  }
0x11: {  	[smem:$0x3FB2] =	sst s9;
	s0 =	simm.s32 @!p0 $0x0  }
0x12: {  	s1 =	sld [smem:$0x3F98];
	s0 =	simm.s32 @p0 $0x1  }
0x13: {  	[smem:$0x3FB3] =	sst s0;
	s0 =	simm.s32 @!p1 $0x0  }
0x14: {  	s2 =	sld [smem:$0x3F97];
	s0 =	simm.s32 @p1 $0x1  }
0x15: {  	[smem:$0x3FB4] =	sst s0;
	s0 =	simm.s32 @!p2 $0x0  }
0x16: {  	s3 =	sld [smem:$0x3FDB];
	s0 =	simm.s32 @p2 $0x1  }
0x17: {  	s4 =	simm.s32 $0x1BF5;
	[smem:$0x3FB6] =	sst s0  }
0x18: {  	s0 =	sld [smem:$0x3F99];
	_ =	swait.ge [sflag:s4], $0x0  }
0x19: {  	s7 =	sld [smem:$0x3F9A]  }
0x1a: {  	s8 =	sadd.s32 $0xFFFFE003, lr  }
0x1b: {  	s9 =	sadd.s32 $0xFFFFFEF7, lr;
	s5 =	simm.s32 $0xFFFFFFFF;
	p2 =	slt.u32 s8, $0xFFFFF086  }
0x1c: {  	p1 =	slt.u32 s9, $0xF7A;
	s5 =	simm.s32 @!p2 $0x0  }
0x1d: {  	s5 =	simm.s32 @p1 $0x1;
	p0 =	seq.s32 s7, s2  }
0x1e: {  	s7 =	smul.u32 @!p0 $0xF7A, s2;
	p2 =	seq.s32 @!p0 s5, $0x0  }
0x1f: {  	s9 =	smul.u32 $0xF7A, s1;
	s8 =	simm.s32 @!p0 $0x1BF5;
	p2 =	por !p2, p0  }
0x20: {  	[sflag:s8] =	ssyncset.s32 @!p0 $0xFFFFF086;
	s6 =	sadd.s32 @!p0 s3, s7;
	s7 =	simm.s32 @!p0 $0x108  }
0x21: {  	s3 =	sadd.s32 s3, s9;
	s6 =	sadd.s32 @!p0 $0x88, s6;
	s7 =	simm.s32 @p2 $0x1082  }
0x22: {  	[simem:s7], [sflag:s8] =	dma.local @!p0 [hbm:s6], $0xF7A  }
0x23: {  	s9 =	sor.u32 $0xD0000000, s2;
	s6 =	simm.s32 $0x108;
	_ =	swait.ge @!p0 [sflag:s8], $0x0  }
0x24: {  	s3 =	sadd.s32 $0x88, s3;
	s6 =	simm.s32 @!p1 $0x1082;
	[sflag:s4] =	ssyncset.s32 $0xFFFFF086  }
0x25: {  	[simem:s6], [sflag:s4] =	dma.local [hbm:s3], $0xF7A  }
0x26: {  	[smem:$0x3F9A] =	sst s1;
	(tag) =	ssettag s2;
	_ =	strace s9  }
0x27: {  	s1 =	sld [smem:$0x3FAA]  }
0x28: {  	s2 =	sld [smem:$0x3FAB]  }
0x29: {  	s4 =	sld [smem:$0x3FAD]  }
0x2a: {  	p0 =	seq.s32 s5, $0x0;
	s5 =	sld [smem:$0x3FAE]  }
0x2b: {  	s6 =	sld [smem:$0x3FAF]  }
0x2c: {  	s7 =	sld [smem:$0x3FB0]  }
0x2d: {  	s3 =	simm.s32 $0x108;
	s8 =	sld [smem:$0x3FB1]  }
0x2e: {  	s3 =	simm.s32 @!p0 $0x1082;
	s9 =	sld [smem:$0x3FB2]  }
0x2f: {  	lr =	sadd.s32 s0, s3;
	s0 =	sld [smem:$0x3FA9]  }
0x30: {  	s3 =	sld [smem:$0x3FAC]  }
0x31: {  	[smem:$0x3FB5] =	sst s10  }
0x32: {  	s10 =	sld [smem:$0x3FB3];
	_ =	sdelay $0x3  }
0x33: {  	p0 =	seq.s32 s10, $0x1;
	s10 =	sld [smem:$0x3FB5];
	_ =	sdelay $0x3  }
0x34: {  	[smem:$0x3FB5] =	sst s10  }
0x35: {  	s10 =	sld [smem:$0x3FB4];
	_ =	sdelay $0x3  }
0x36: {  	p1 =	seq.s32 s10, $0x1;
	s10 =	sld [smem:$0x3FB5];
	_ =	sdelay $0x3  }
0x37: {  	[smem:$0x3FB5] =	sst s10  }
0x38: {  	s10 =	sld [smem:$0x3FB6]  }
0x39: {  	_ = 	snop;
	(pc) =	sbr.ind lr, $3  }
0x3a: {  	_ = 	snop  }
0x3b: {  	_ = 	snop  }
0x3c: {  	p2 =	seq.s32 s10, $0x1;
	s10 =	sld [smem:$0x3FB5]  }
0x3d: {  	_ =	shalt  }
0x3e: {  	_ =	shalt  }
0x3f: {  	_ =	shalt  }
0x40: {  	_ =	shalt  }
0x41: {  	_ =	shalt  }
0x42: {  	_ =	shalt  }
0x43: {  	_ =	shalt  }
0x44: {  	_ =	shalt  }
0x45: {  	_ =	shalt  }
0x46: {  	_ =	shalt  }
0x47: {  	_ =	shalt  }
0x48: {  	_ =	shalt  }
0x49: {  	_ =	shalt  }
0x4a: {  	_ =	shalt  }
0x4b: {  	_ =	shalt  }
0x4c: {  	_ =	shalt  }
0x4d: {  	_ =	shalt  }
0x4e: {  	_ =	shalt  }
0x4f: {  	_ =	shalt  }
0x50: {  	_ =	shalt  }
0x51: {  	_ =	shalt  }
0x52: {  	_ =	shalt  }
0x53: {  	_ =	shalt  }
0x54: {  	_ =	shalt  }
0x55: {  	_ =	shalt  }
0x56: {  	_ =	shalt  }
0x57: {  	_ =	shalt  }
0x58: {  	_ =	shalt  }
0x59: {  	_ =	shalt  }
0x5a: {  	_ =	shalt  }
0x5b: {  	_ =	shalt  }
0x5c: {  	_ =	shalt  }
0x5d: {  	_ =	shalt  }
0x5e: {  	_ =	shalt  }
0x5f: {  	_ =	shalt  }
0x60: {  	_ =	shalt  }
0x61: {  	_ =	shalt  }
0x62: {  	_ =	shalt  }
0x63: {  	_ =	shalt  }
0x64: {  	_ =	shalt  }
0x65: {  	_ =	shalt  }
0x66: {  	_ =	shalt  }
0x67: {  	_ =	shalt  }
0x68: {  	_ =	shalt  }
0x69: {  	_ =	shalt  }
0x6a: {  	_ =	shalt  }
0x6b: {  	_ =	shalt  }
0x6c: {  	_ =	shalt  }
0x6d: {  	_ =	shalt  }
0x6e: {  	_ =	shalt  }
0x6f: {  	_ =	shalt  }
0x70: {  	_ =	shalt  }
0x71: {  	_ =	shalt  }
0x72: {  	_ =	shalt  }
0x73: {  	_ =	shalt  }
0x74: {  	_ =	shalt  }
0x75: {  	_ =	shalt  }
0x76: {  	_ =	shalt  }
0x77: {  	_ =	shalt  }
0x78: {  	_ =	shalt  }
0x79: {  	_ =	shalt  }
0x7a: {  	_ =	shalt  }
0x7b: {  	_ =	shalt  }
0x7c: {  	_ =	shalt  }
0x7d: {  	_ =	shalt  }
0x7e: {  	_ =	shalt  }
0x7f: {  	_ =	shalt  }
0x80: {  	_ =	shalt  }
0x81: {  	_ =	shalt  }
0x82: {  	_ =	shalt  }
0x83: {  	_ =	shalt  }
0x84: {  	_ =	shalt  }
0x85: {  	_ =	shalt  }
0x86: {  	_ =	shalt  }
0x87: {  	_ =	shalt  }
.Lfunc_end0:
.L_simem_size_0:
called_computation.3_lowered:
.L_overlay_start_0:
0x88: {  	s2 =	sld [smem:$0x3FD9]  }
0x89: {  	s3 =	sld [smem:$0x3FFE];
	_ =	sdelay $0x1  }
0x8a: {  	s1 =	srdreg.scid  }
0x8b: {  	s0 =	sand.u32 $0x1, s1  }
0x8c: {  	s17 =	sshll.u32 s0, $0xA;
	s2 =	sadd.s32 s3, s2  }
0x8d: {  	s2 =	sadd.s32 s2, s17  }
0x8e: {  	[smem:$0x3FC1] =	sst s2  }
0x8f: {  	_ = 	snop  }
0x90: {  	s2 =	sld [smem:$0x3FD0];
	(tm) =	ssettm $0x1  }
0x91: {  	s18 =	sld [smem:$0x3FFB];
	_ =	sdelay $0x3  }
0x92: {  	_ =	strace s18  }
0x93: {  	s3 =	sld [smem:$0x3FFC];
	_ =	sdelay $0x3  }
0x94: {  	_ =	strace s3  }
0x95: {  	s3 =	sld [smem:$0x3FFD];
	_ =	sdelay $0x3  }
0x96: {  	_ =	strace s3  }
0x97: {  	_ =	strace $0x8FFFFFFF  }
0x98: {  	s19 =	sld [smem:$0x3FDB];
	_ =	sdelay $0x1  }
0x99: {  	s4 =	simm.s32 $_scs_section_size  }
0x9a: {  	s5 =	simm.s32 $_size__tile_overlayer_lowered;
	s6 =	simm.s32 $_tile_overlayer_lowered  }
0x9b: {  	s22 =	simm.s32 $0x1BFF;
	s21 =	sshll.u32 s6, $0x1;
	s3 =	sadd.s32 s4, s19  }
0x9c: {  	s7 =	simm.s32 $0x0;
	s20 =	sshll.u32 s5, $0x1;
	s5 =	sadd.s32 s21, s3  }
0x9d: {  	[timem:s7], [sflag:s22] =	dma.local [hbm:s5], s20  }
0x9e: {  	_ =	swait.ge [sflag:s22], s20  }
0x9f: {  	s4 =	ssub.s32 $0x0, s20;
	[sflag:s22] =	ssyncset.done $0x0  }
0xa0: {  	[sflag:s22] =	ssyncadd.s32 s4;
	_ =	sdelay $0x1  }
0xa1: {  	s23 =	simm.s32 $0x1B8B  }
0xa2: {  	_ =	swait.ge [sflag:s23], $0x1  }
0xa3: {  	[sflag:s23] =	ssyncset.done $0x0  }
0xa4: {  	s25 =	simm.s32 $0x1B8E;
	s24 =	sld [smem:$0x3FFE];
	[sflag:s23] =	ssyncadd.s32 $0xFFFFFFFF  }
0xa5: {  	s26 =	simm.s32 $execute0_lowered;
	[smem:$0x3FD2] =	sst s25  }
0xa6: {  	s5 =	sshll.u32 s26, $0x1;
	_ =	strace $0x8000004F;
	[dreg:$0x1] =	wrdreg $0xFFFFFFFF  }
0xa7: {  	s28 =	simm.s32 $_size_execute0_lowered;
	s3 =	sadd.s32 s3, s5;
	[dreg:$0x0] =	wrdreg $0x0  }
0xa8: {  	s5 =	sshll.u32 s28, $0x1;
	[dreg:$0x2] =	wrdreg s3  }
0xa9: {  	[dreg:$0x3] =	wrdreg s5  }
0xaa: {  	[dreg:$0x4] =	wrdreg $0xC0  }
0xab: {  	_ =	task [dreg:s7], $0x5FFFF  }
0xac: {  	[dreg:$0x1] =	wrdreg $0xFFFFFFFF  }
0xad: {  	[dreg:$0x0] =	wrdreg $0x60  }
0xae: {  	[dreg:$0x2] =	wrdreg s24  }
0xaf: {  	[dreg:$0x3] =	wrdreg s2  }
0xb0: {  	[dreg:$0x4] =	wrdreg $0x15A000  }
0xb1: {  	[dreg:$0x5] =	wrdreg $0x9  }
0xb2: {  	_ =	task.clear_ibuf [dreg:s7], $0x6FFFF;
	_ =	strace $0x9000004F  }
0xb3: {  	s29 =	simm.s32 $0x9;
	_ =	strace $0x80000051  }
0xb4: {  	_ =	swait.ge [sflag:s29], $0x1  }
0xb5: {  	[sflag:s29] =	ssyncadd.s32 $0xFFFFFFFF  }
0xb6: {  	_ =	strace $0x90000051  }
0xb7: {  	_ =	sfence  }
0xb8: {  	s30 =	sld [smem:$0x0];
	_ =	sdelay $0x2  }
0xb9: {  	s31 =	sshll.u32 s1, $0xD;
	s1 =	sshrl.u32 s1, $0x2  }
0xba: {  	s3 =	sand.u32 $0x4000, s31;
	s1 =	sadd.s32 s1, s30  }
0xbb: {  	s0 =	sor.u32 s3, s0;
	s1 =	sshll.u32 s1, $0x11  }
0xbc: {  	s0 =	sor.u32 s1, s0  }
0xbd: {  	s0 =	sadd.s32 $0x8F2B, s0  }
0xbe: {  	[sflag:s0] =	ssyncadd.remote.s32 $0x1  }
0xbf: {  	_ =	sfence.sel $0xFFFF  }
0xc0: {  	[dreg:$0x0] =	wrdreg $0xFFFFFFFF;
	(pc) =	sbr.abs _section_cstart, $3  }
0xc1: {  	[dreg:$0x1] =	wrdreg $0xFFFFFFFF  }
0xc2: {  	_ =	task.clear_ibuf [dreg:s7], $0x2FFFF;
	_ =	strace $0x9FFFFFFF  }
0xc3: {  	(tm) =	ssettm $0x7FFFFFFF  }
tec
execute0_lowered:
.L_overlay_start_1:
0x0: {  	(tag) =	ssettag $0x1  }
0x1: {  	s6 =	rddreg [dreg:$0x0];
	s1 =	srdreg.scid  }
0x2: {  	s0 =	stileid.u32;
	s2 =	rddreg [dreg:$0x1]  }
0x3: {  	s3 =	rddreg [dreg:$0x2];
	s4 =	simm.s32 $0x0;
	s14 =	simm.s32 $0x80  }
0x4: {  	s15 =	simm.s32 $0x13A00;
	s16 =	simm.s32 $0x1;
	s8 =	smul.u32 $0x9D00, s0  }
0x5: {  	s7 =	sand.u32 $0x1, s1;
	s1 =	rddreg [dreg:$0x3];
	s9 =	smul.u32 $0xA000, s0  }
0x6: {  	s17 =	simm.s32 $0x0;
	[smem:$0x7FF] =	sst s4;
	s5 =	smul.u32 $0x9D000, s7  }
0x7: {  	s31 =	sshll.u32 s0, $0x6;
	s10 =	smul.u32 $0xA0000, s7;
	s7 =	ssub.s32 $0x2, s7  }
0x8: {  	_ =	strace $0x80000050;
	s30 =	sshrl.u32 s7, $0x1;
	s13 =	sadd.s32 s9, s3  }
0x9: {  	s5 =	sadd.s32 s8, s5;
	s10 =	sadd.s32 s9, s10;
	s8 =	sshrl.u32 s8, $0x3  }
0xa: {  	s12 =	ssub.s32 s7, s30;
	s11 =	sshrl.u32 s5, $0x3;
	s5 =	sadd.s32 $0x8D400, s6  }
0xb: {  	s10 =	sshrl.u32 s10, $0x3;
	s8 =	sadd.s32 s8, s6;
	s11 =	sadd.s32 s11, s6  }
0xc: {  	s10 =	sadd.s32 s10, s6;
	s6 =	sor.u32 $0x1C02, s31;
	s8 =	sadd.s32 $0xB5400, s8  }
0xd: {  	s7 =	sadd.s32 $0x16000, s11;
	s9 =	sadd.s32 $0xC8E00, s10;
	s10 =	smax.u32 s12, $0x1  }
0xe: {  	s11 =	sshrl.u32 s13, $0x3;
	s12 =	simm.s32 $0x2;
	s13 =	simm.s32 $0x9D00  }
.LBB2_1:
0xf: {  	[spmem:s11], [sflag:s6] =	dma.local [hbm:s2], $0x1400  }
0x10: {  	_ =	swait.ge [sflag:s12], $0x1400  }
0x11: {  	[sflag:s12] =	ssyncset.done $0x0  }
0x12: {  	[sflag:s12] =	ssyncadd.s32 $0xFFFFEC00  }
0x13: {  	[tilespmem:s4], [sflag:$0x2] =	stream.linear.gather [hbm4b:s7+s4], $0x9D00, $0x38;
	[tilespmem:$0x1FA00] =	vst v63  }
0x14: {  	_ =	swait.ge [sflag:s12], $0x9D00  }
0x15: {  	[sflag:s12] =	ssyncset.done $0x0  }
0x16: {  	[sflag:s12] =	ssyncadd.s32 $0xFFFF6300  }
0x17: {  	[tilespmem:s13], [sflag:$0x2] =	stream.linear.gather [hbm4b:s8+s4], $0x9D00, $0x38;
	[tilespmem:$0x1FA00] =	vst v63  }
0x18: {  	_ =	swait.ge [sflag:s12], $0x9D00  }
0x19: {  	[sflag:s12] =	ssyncset.done $0x0  }
0x1a: {  	[sflag:s12] =	ssyncadd.s32 $0xFFFF6300  }
0x1b: {  	s18 =	simm.s32 $0x0;
	[bflag:$0x0] =	sbarrier.arrive $0xFFFF  }
0x1c: {  	[tilespmem:s15], [sflag:$0x1] =	stream.indirect.gather [hbm4b:s5+s14], $0x40, s18, s14, $0xb8;
	[tilespmem:$0x1FA00] =	vst v63  }
0x1d: {  	_ =	swait.ge [sflag:s16], $0x2000  }
0x1e: {  	[sflag:s16] =	ssyncset.done $0x0  }
0x1f: {  	s31 =	simm.s32 $0x9D00;
	[sflag:s16] =	ssyncadd.s32 $0xFFFFE000  }
0x20: {  	[spmem:s3] =	stream.indirect.scatter.add.f32 [tilespmem:s15], [sflag:$0x2], $0x40, s31, s14, $0xb8;
	[tilespmem:$0x1FA00] =	vst v63  }
0x21: {  	_ =	swait.ge [sflag:s12], $0x2000  }
0x22: {  	s19 =	simm.s32 $0x400;
	s18 =	simm.s32 $0x200;
	[sflag:s12] =	ssyncset.done $0x0  }
.LBB2_2:
0x23: {  	s20 =	sshra.s32 s18, $0x2  }
0x24: {  	[sflag:s12] =	ssyncadd.s32 $0xFFFFE000;
	s18 =	smov.u32 s19;
	s21 =	sadd.s32 $0x200, s19  }
0x25: {  	[tilespmem:s15], [sflag:$0x1] =	stream.indirect.gather [hbm4b:s5+s14], $0x40, s20, s14, $0xb8;
	[tilespmem:$0x1FA00] =	vst v63  }
0x26: {  	p0 =	sne.s32 s19, $0x27200;
	_ =	swait.ge [sflag:s16], $0x2000  }
.Ltmp0:
0x27: {  	[sflag:s16] =	ssyncset.done $0x0;
	(pc) =	sbr.rel @p0 .LBB2_2-.Ltmp0, $4  }
0x28: {  	s19 =	sadd.s32 $0x9D00, s20;
	[sflag:s16] =	ssyncadd.s32 $0xFFFFE000  }
0x29: {  	[spmem:s3] =	stream.indirect.scatter.add.f32 [tilespmem:s15], [sflag:$0x2], $0x40, s19, s14, $0xb8;
	[tilespmem:$0x1FA00] =	vst v63  }
0x2a: {  	_ =	swait.ge [sflag:s12], $0x2000  }
0x2b: {  	s19 =	smov.u32 s21;
	[sflag:s12] =	ssyncset.done $0x0  }
0x2c: {  	s18 =	sshra.s32 s18, $0x2;
	[sflag:s12] =	ssyncadd.s32 $0xFFFFE000  }
0x2d: {  	[tilespmem:s15], [sflag:$0x1] =	stream.indirect.gather [hbm4b:s5+s14], $0x40, s18, s14, $0xb8;
	[tilespmem:$0x1FA00] =	vst v63  }
0x2e: {  	_ =	swait.ge [sflag:s16], $0x2000  }
0x2f: {  	[sflag:s16] =	ssyncset.done $0x0  }
0x30: {  	s18 =	sadd.s32 $0x9D00, s18;
	[sflag:s16] =	ssyncadd.s32 $0xFFFFE000  }
0x31: {  	[spmem:s3] =	stream.indirect.scatter.add.f32 [tilespmem:s15], [sflag:$0x2], $0x40, s18, s14, $0xb8;
	[tilespmem:$0x1FA00] =	vst v63  }
0x32: {  	_ =	swait.ge [sflag:s12], $0x2000  }
0x33: {  	s17 =	sadd.s32 $0x1, s17;
	[sflag:s12] =	ssyncset.done $0x0  }
0x34: {  	p0 =	sne.s32 s17, s10;
	[sflag:s12] =	ssyncadd.s32 $0xFFFFE000  }
.Ltmp1:
0x35: {  	[bflag:$0x0] =	sbarrier.arrive $0xFFFF;
	(pc) =	sbr.rel @p0 .LBB2_1-.Ltmp1, $4  }
0x36: {  	[hbm:s9], [sflag:s6] =	dma.local [spmem:s11], $0x1400  }
0x37: {  	_ =	swait.ge [sflag:s12], $0x1400  }
0x38: {  	[sflag:s12] =	ssyncset.done $0x0  }
0x39: {  	[sflag:s12] =	ssyncadd.s32 $0xFFFFEC00  }
0x3a: {  	_ =	sfence.sel $0x180000  }
0x3b: {  	[bflag:$0x0] =	sbarrier.arrive $0xFFFF  }
0x3c: {  	p0 =	sne.s32 s0, $0x0;
	_ =	strace $0x90000050  }
0x3d: {  	s0 =	sadd.s32 @!p0 $0x100000, s1;
	[bflag:$0x2] =	sbarrier.arrive $0xFFFF  }
0x3e: {  	[sflag:s0] =	ssyncadd.tile.s32 @!p0 $0x1;
	_ =	shalt  }
.Lfunc_end2:
_tile_overlayer_lowered:
.L_overlay_start_2:
0x3f: {  	(tag) =	ssettag $0x2  }
0x40: {  	s0 =	rddreg [dreg:$0x0];
	s2 =	stileid.u32  }
0x41: {  	s1 =	rddreg [dreg:$0x1];
	p0 =	sne.s32 s2, $0x0  }
0x42: {  	s3 =	rddreg [dreg:$0x2];
	[bflag:$0x3] =	sbarrier.arrive $0xFFFF;
	s2 =	simm.s32 @!p0 $0x1C02  }
0x43: {  	[timem:s3], [sflag:s2] =	dma.local @!p0 [hbm:s0], s1  }
0x44: {  	s0 =	simm.s32 @!p0 $0x2  }
0x45: {  	_ =	swait.ge @!p0 [sflag:s0], s1  }
0x46: {  	s1 =	ssub.s32 @!p0 $0x0, s1;
	[sflag:s0] =	ssyncset.done @!p0 $0x0  }
0x47: {  	[sflag:s0] =	ssyncadd.s32 @!p0 s1  }
0x48: {  	[bflag:$0x3] =	sbarrier.arrive $0xFFFF  }
0x49: {  	_ =	shalt  }

</sc_bundles>
